<compile_context>
chip_gen: v7x
topology: tpu7x:2x2x1
jax: 0.10.2.dev20260603
libtpu: 0.0.44.dev20260713+nightly
codegen_flags: <defaults>
</compile_context>

<pallas_src>
import functools

import jax
import jax.numpy as jnp
import numpy as np
from jax import lax
from jax.experimental import pallas as pl
from jax.experimental.pallas import tpu as pltpu
from jax.experimental.pallas import tpu_sc as plsc

_N = 10000
_E = 160000
_DN = 128
_DE = 16
_H = 128
_FD = 2
_K = 3
_PQ = 3
_NG = 64
_NCLS = 2

_NW = 32
_NPADN = 10240
_NPAD = 10016
_EPAD = 160256
_CH = _EPAD // _NW
_NV = _CH // 16
_SUBV = (160, 153)
_SUBB = 160 * 16


def _leaky(x):
  return jnp.where(x >= 0, x, 0.01 * x)


_EBLK = 16000


def _front_body(x_ref, xt_ref, wn1_ref, wn2_ref, bn2_ref,
                we1_ref, we2_ref, be2_ref, nf_ref, ef_ref, acc_ref):
  p = pl.program_id(0)
  i = pl.program_id(1)

  @pl.when(jnp.logical_and(p == 0, i == 0))
  def _():
    acc_ref[...] = jnp.zeros_like(acc_ref)
    hn = jnp.dot(x_ref[...], wn1_ref[...],
                 preferred_element_type=jnp.float32)
    m = jnp.sum(hn, axis=0, keepdims=True) / _N
    v = jnp.sum(hn * hn, axis=0, keepdims=True) / _N - m * m
    hn = _leaky((hn - m) * lax.rsqrt(v + 1e-5))
    o = lax.dot_general(wn2_ref[...], hn, (((0,), (1,)), ((), ())),
                        preferred_element_type=jnp.float32)
    nf_ref[...] = jnp.tanh(o + bn2_ref[...]) * np.pi

  h = lax.dot_general(we1_ref[...], xt_ref[...], (((0,), (0,)), ((), ())),
                      preferred_element_type=jnp.float32)

  @pl.when(p == 0)
  def _():
    acc_ref[:, 0:1] += jnp.sum(h, axis=1, keepdims=True)
    acc_ref[:, 1:2] += jnp.sum(h * h, axis=1, keepdims=True)

  @pl.when(p == 1)
  def _():
    m = acc_ref[:, 0:1] / _E
    v = acc_ref[:, 1:2] / _E - m * m
    he = _leaky((h - m) * lax.rsqrt(v + 1e-5))
    o = lax.dot_general(we2_ref[...], he, (((0,), (0,)), ((), ())),
                        preferred_element_type=jnp.float32)
    ef_ref[...] = jnp.tanh(o + be2_ref[...]) * np.pi


def _front(x, xt, wn1, wn2, bn2, we1, we2, be2):
  return pl.pallas_call(
      _front_body,
      grid=(2, _E // _EBLK),
      in_specs=[
          pl.BlockSpec((_N, _DN), lambda p, i: (0, 0)),
          pl.BlockSpec((_DE, _EBLK), lambda p, i: (0, i)),
          pl.BlockSpec((_DN, _H), lambda p, i: (0, 0)),
          pl.BlockSpec((_H, _FD), lambda p, i: (0, 0)),
          pl.BlockSpec((_FD, 1), lambda p, i: (0, 0)),
          pl.BlockSpec((_DE, _H), lambda p, i: (0, 0)),
          pl.BlockSpec((_H, _FD), lambda p, i: (0, 0)),
          pl.BlockSpec((_FD, 1), lambda p, i: (0, 0)),
      ],
      out_specs=[
          pl.BlockSpec((_FD, _N), lambda p, i: (0, 0)),
          pl.BlockSpec((_FD, _EBLK), lambda p, i: (0, i)),
      ],
      out_shape=[
          jax.ShapeDtypeStruct((_FD, _N), jnp.float32),
          jax.ShapeDtypeStruct((_FD, _E), jnp.float32),
      ],
      scratch_shapes=[pltpu.VMEM((_H, 2), jnp.float32)],
  )(x, xt, wn1, wn2, bn2, we1, we2, be2)


def _sc1_body(dst_h, zi_h, out_h, dst_v, cnt_v):
  c = lax.axis_index("c")
  s = lax.axis_index("s")
  wid = c * 16 + s
  pltpu.sync_copy(zi_h, cnt_v)
  pltpu.sync_copy(dst_h.at[pl.ds(wid * _CH, _CH)], dst_v)
  qbase = jnp.min(plsc.scan_count(jnp.zeros((16,), jnp.int32))[0])

  @pl.loop(0, _NV)
  def _(i):
    d = dst_v[pl.ds(i * 16, 16)]
    q, lastm = plsc.scan_count(d)
    cc = plsc.load_gather(cnt_v, [d])
    plsc.store_scatter(cnt_v, [d], cc + (q - qbase) + 1, mask=lastm)

  pltpu.sync_copy(cnt_v, out_h.at[wid])


def _sc_counts(dstp, zi):
  mesh = plsc.VectorSubcoreMesh(core_axis_name="c", subcore_axis_name="s")
  f = pl.kernel(
      _sc1_body,
      out_type=jax.ShapeDtypeStruct((_NW, _NPAD), jnp.int32),
      mesh=mesh,
      compiler_params=pltpu.CompilerParams(needs_layout_passes=False,
                                           use_tc_tiling_on_sc=False),
      scratch_types=[
          pltpu.VMEM((_CH,), jnp.int32),
          pltpu.VMEM((_NPAD,), jnp.int32),
      ],
  )
  return f(dstp, zi)


def _prefix_body(cnt_ref, base_ref, tot_ref):
  x = cnt_ref[...]
  run = jnp.zeros((1, _NPAD), jnp.int32)
  rows = []
  for i in range(_NW):
    rows.append(run)
    run = run + x[i:i + 1]
  base_ref[...] = jnp.concatenate(rows, axis=0)
  tot_ref[...] = run


def _prefix(cnt_all):
  return pl.pallas_call(
      _prefix_body,
      out_shape=(jax.ShapeDtypeStruct((_NW, _NPAD), jnp.int32),
                 jax.ShapeDtypeStruct((1, _NPAD), jnp.int32)),
  )(cnt_all)


def _sc2_body(dst_h, src_h, ef0_h, ef1_h, nf0_h, nf1_h, base_h, wtab_h, zf_h,
              out_h, cnt_v, nf0_v, nf1_v, dst_v, src_v, e0_v, e1_v,
              we0_v, we1_v, wn0_v, wn1_v, acc0_v, acc1_v, acc2_v):
  c = lax.axis_index("c")
  s = lax.axis_index("s")
  wid = c * 16 + s
  pltpu.sync_copy(base_h.at[wid], cnt_v)
  pltpu.sync_copy(nf0_h, nf0_v)
  pltpu.sync_copy(nf1_h, nf1_v)
  pltpu.sync_copy(wtab_h.at[0], we0_v)
  pltpu.sync_copy(wtab_h.at[1], we1_v)
  pltpu.sync_copy(wtab_h.at[2], wn0_v)
  pltpu.sync_copy(wtab_h.at[3], wn1_v)
  pltpu.sync_copy(zf_h, acc0_v)
  pltpu.sync_copy(zf_h, acc1_v)
  pltpu.sync_copy(zf_h, acc2_v)
  qbase = jnp.min(plsc.scan_count(jnp.zeros((16,), jnp.int32))[0])
  ebase = wid * _CH

  accs = (acc0_v, acc1_v, acc2_v)
  wes = ((we0_v, we1_v), (wn0_v, wn1_v))
  voff = 0
  for nv in _SUBV:
    nb = nv * 16
    wb = ebase + voff * 16
    pltpu.sync_copy(dst_h.at[pl.ds(wb, nb)], dst_v.at[pl.ds(0, nb)])
    pltpu.sync_copy(src_h.at[pl.ds(wb, nb)], src_v.at[pl.ds(0, nb)])
    pltpu.sync_copy(ef0_h.at[pl.ds(wb, nb)], e0_v.at[pl.ds(0, nb)])
    pltpu.sync_copy(ef1_h.at[pl.ds(wb, nb)], e1_v.at[pl.ds(0, nb)])

    @pl.loop(0, nv)
    def _(i):
      d = dst_v[pl.ds(i * 16, 16)]
      sv = src_v[pl.ds(i * 16, 16)]
      q, lastm = plsc.scan_count(d)
      r = q - qbase
      cc = plsc.load_gather(cnt_v, [d])
      slot = cc + r
      plsc.store_scatter(cnt_v, [d], slot + 1, mask=lastm)
      keep = (slot < _K) & (d < _N)
      slotc = jnp.minimum(slot, _K - 1)
      kidx = slotc * _PQ
      e0 = e0_v[pl.ds(i * 16, 16)]
      e1 = e1_v[pl.ds(i * 16, 16)]
      n0 = plsc.load_gather(nf0_v, [sv])
      n1 = plsc.load_gather(nf1_v, [sv])
      for j in range(_PQ):
        w0 = plsc.load_gather(wes[0][0], [kidx + j])
        w1 = plsc.load_gather(wes[0][1], [kidx + j])
        w2 = plsc.load_gather(wes[1][0], [kidx + j])
        w3 = plsc.load_gather(wes[1][1], [kidx + j])
        contrib = e0 * w0 + e1 * w1 + n0 * w2 + n1 * w3
        plsc.store_scatter(accs[j], [slotc, d], contrib, mask=keep)

    voff += nv

  for j in range(_PQ):
    pltpu.sync_copy(accs[j], out_h.at[wid, j])


def _sc_contribs(dstp, srcp, ef0p, ef1p, nf0, nf1, base_all, wtab, zf):
  mesh = plsc.VectorSubcoreMesh(core_axis_name="c", subcore_axis_name="s")
  f = pl.kernel(
      _sc2_body,
      out_type=jax.ShapeDtypeStruct((_NW, _PQ, _K, _N), jnp.float32),
      mesh=mesh,
      compiler_params=pltpu.CompilerParams(needs_layout_passes=False,
                                           use_tc_tiling_on_sc=False),
      scratch_types=[
          pltpu.VMEM((_NPAD,), jnp.int32),
          pltpu.VMEM((_N,), jnp.float32),
          pltpu.VMEM((_N,), jnp.float32),
          pltpu.VMEM((_SUBB,), jnp.int32),
          pltpu.VMEM((_SUBB,), jnp.int32),
          pltpu.VMEM((_SUBB,), jnp.float32),
          pltpu.VMEM((_SUBB,), jnp.float32),
          pltpu.VMEM((16,), jnp.float32),
          pltpu.VMEM((16,), jnp.float32),
          pltpu.VMEM((16,), jnp.float32),
          pltpu.VMEM((16,), jnp.float32),
          pltpu.VMEM((_K, _N), jnp.float32),
          pltpu.VMEM((_K, _N), jnp.float32),
          pltpu.VMEM((_K, _N), jnp.float32),
      ],
  )
  return f(dstp, srcp, ef0p, ef1p, nf0, nf1, base_all, wtab, zf)


def _final_body(acc_ref, nf_ref, tot_ref, batch_ref, wq_ref,
                wu1_ref, bu1_ref, wu2_ref, bu2_ref, lng_ref, lnb_ref,
                wh1_ref, bh1_ref, wh2_ref, bh2_ref, wh3_ref, bh3_ref,
                out_ref):
  res = jnp.sum(acc_ref[...], axis=0)
  nf_t = nf_ref[...]
  wq = wq_ref[...]
  center = lax.dot_general(wq[2 * _K:2 * _K + _FD], nf_t,
                           (((0,), (0,)), ((), ())),
                           preferred_element_type=jnp.float32)
  acc_t = jnp.sum(res, axis=1)
  msg_t = jnp.cos(acc_t + center)
  x5 = jnp.concatenate([nf_t, msg_t], axis=0)
  h = lax.dot_general(wu1_ref[...], x5, (((0,), (0,)), ((), ())),
                      preferred_element_type=jnp.float32) + bu1_ref[...]
  h = _leaky(h)
  upd = lax.dot_general(wu2_ref[...], h, (((0,), (0,)), ((), ())),
                        preferred_element_type=jnp.float32) + bu2_ref[...]
  has_in = (tot_ref[...] > 0).astype(jnp.float32)
  un = upd * has_in
  m = (un[0:1] + un[1:2]) * 0.5
  v = ((un[0:1] - m) ** 2 + (un[1:2] - m) ** 2) * 0.5
  nf2 = (un - m) * lax.rsqrt(v + 1e-5) * lng_ref[...] + lnb_ref[...] + nf_t

  rows = lax.broadcasted_iota(jnp.int32, (_NG, _N), 0)
  oh = (rows == batch_ref[...]).astype(jnp.float32)
  g_t = lax.dot_general(nf2, oh, (((1,), (1,)), ((), ())),
                        preferred_element_type=jnp.float32,
                        precision=lax.Precision.HIGHEST)
  h1 = lax.dot_general(g_t, wh1_ref[...], (((0,), (0,)), ((), ())),
                       preferred_element_type=jnp.float32) + bh1_ref[...]
  m1 = jnp.mean(h1, axis=0, keepdims=True)
  v1 = jnp.mean(h1 * h1, axis=0, keepdims=True) - m1 * m1
  h1 = _leaky((h1 - m1) * lax.rsqrt(v1 + 1e-5))
  h2 = jnp.dot(h1, wh2_ref[...],
               preferred_element_type=jnp.float32) + bh2_ref[...]
  m2 = jnp.mean(h2, axis=0, keepdims=True)
  v2 = jnp.mean(h2 * h2, axis=0, keepdims=True) - m2 * m2
  h2 = _leaky((h2 - m2) * lax.rsqrt(v2 + 1e-5))
  out_ref[...] = jnp.dot(h2, wh3_ref[...],
                         preferred_element_type=jnp.float32) + bh3_ref[...]


def _final(acc_all, nf_t, tot, batch2d, wq, wu1, bu1, wu2, bu2, lng, lnb,
           wh1, bh1, wh2, bh2, wh3, bh3):
  return pl.pallas_call(
      _final_body,
      out_shape=jax.ShapeDtypeStruct((_NG, _NCLS), jnp.float32),
  )(acc_all, nf_t, tot, batch2d, wq, wu1, bu1, wu2, bu2, lng, lnb,
    wh1, bh1, wh2, bh2, wh3, bh3)


def kernel(node_feat, edge_attr, params, edge_index, batch):
  p = params
  f32 = jnp.float32

  eat = edge_attr.T
  bn2 = p['bn2'].reshape(_FD, 1).astype(f32)
  be2 = p['be2'].reshape(_FD, 1).astype(f32)
  wn1 = p['Wn1'].astype(f32)
  wn2 = p['Wn2'].astype(f32)
  we1 = p['We1'].astype(f32)
  we2 = p['We2'].astype(f32)
  wq = p['Wq'].astype(f32)

  nf_tp, ef_t = _front(node_feat.astype(f32), eat, wn1, wn2, bn2,
                       we1, we2, be2)

  dst = edge_index[1]
  src = edge_index[0]
  def _rbf(x):
    return x.astype(jnp.bfloat16).astype(f32)
  dstp = jnp.concatenate([dst, jnp.full((_EPAD - _E,), _N, jnp.int32)])
  srcp = jnp.concatenate([src, jnp.zeros((_EPAD - _E,), jnp.int32)])
  ef0p = _rbf(jnp.concatenate([ef_t[0], jnp.zeros((_EPAD - _E,), f32)]))
  ef1p = _rbf(jnp.concatenate([ef_t[1], jnp.zeros((_EPAD - _E,), f32)]))
  nf0 = _rbf(nf_tp[0, :_N])
  nf1 = _rbf(nf_tp[1, :_N])
  nf_t = nf_tp[:, :_N]

  zi = jnp.zeros((_NPAD,), jnp.int32)
  zf = jnp.zeros((_K, _N), f32)
  wtab = jnp.zeros((4, 16), f32)
  wtab = wtab.at[0, :9].set(wq[0:2 * _K:2].reshape(-1))
  wtab = wtab.at[1, :9].set(wq[1:2 * _K:2].reshape(-1))
  wtab = wtab.at[2, :9].set(wq[2 * _K + _FD::2].reshape(-1))
  wtab = wtab.at[3, :9].set(wq[2 * _K + _FD + 1::2].reshape(-1))
  wtab = _rbf(wtab)

  cnt_all = _sc_counts(dstp, zi)
  base_all, tot = _prefix(cnt_all)
  acc_all = _sc_contribs(dstp, srcp, ef0p, ef1p, nf0, nf1, base_all, wtab, zf)

  out = _final(
      acc_all, nf_t, tot[:, :_N], batch.reshape(1, _N),
      wq,
      p['Wu1'].astype(f32), p['bu1'].reshape(_H, 1).astype(f32),
      p['Wu2'].astype(f32), p['bu2'].reshape(_FD, 1).astype(f32),
      p['ln_g'].reshape(_FD, 1).astype(f32),
      p['ln_b'].reshape(_FD, 1).astype(f32),
      p['Wh1'].astype(f32), p['bh1'].reshape(1, _H).astype(f32),
      p['Wh2'].astype(f32), p['bh2'].reshape(1, _H).astype(f32),
      p['Wh3'].astype(f32), p['bh3'].reshape(1, _NCLS).astype(f32),
  )
  return out

# --- scband reference (transcript-rebuilt; emitter-appended) ---
"""Pipeline reference for scband-qgnngraph-classifier-26740466385556 (READ-ONLY COPY).

The authoritative reference and input builder live on the scoring server;
editing this copy changes nothing except your own understanding.
"""

import jax, jax.numpy as jnp
import numpy as np

N = 10000
E = 160000
DN = 128
DE = 16
H = 128
FD = 2
K = 3
PQC_OUT = 3
NG = 64
NC = 2


def _bn(x):
    return (x - x.mean(axis=0, keepdims=True)) / jnp.sqrt(x.var(axis=0, keepdims=True) + 1e-5)


def _mlp_bn(x, W1, b1, W2, b2):
    h = x @ W1 + b1
    h = jax.nn.leaky_relu(_bn(h), 0.01)
    return h @ W2 + b2


def setup_inputs(seed: int = 0) -> dict:
    key = jax.random.key(seed)
    ks = jax.random.split(key, 32)
    node_feat = jax.random.normal(ks[0], (N, DN), jnp.float32)
    edge_attr = jax.random.normal(ks[1], (E, DE), jnp.float32)
    edge_index = jax.random.randint(ks[2], (2, E), 0, N, dtype=jnp.int32)
    batch = jnp.sort(jax.random.randint(ks[3], (N,), 0, NG, dtype=jnp.int32))
    s = 0.1
    params = {
        'Wn1': jax.random.normal(ks[4], (DN, H)) * s, 'bn1': jnp.zeros((H,)),
        'Wn2': jax.random.normal(ks[5], (H, FD)) * s, 'bn2': jnp.zeros((FD,)),
        'We1': jax.random.normal(ks[6], (DE, H)) * s, 'be1': jnp.zeros((H,)),
        'We2': jax.random.normal(ks[7], (H, FD)) * s, 'be2': jnp.zeros((FD,)),
        'Wq': jax.random.uniform(ks[8], ((K + 1 + K) * FD, PQC_OUT), minval=0.0, maxval=np.pi),
        'Wu1': jax.random.normal(ks[9], (FD + PQC_OUT, H)) * s, 'bu1': jnp.zeros((H,)),
        'Wu2': jax.random.normal(ks[10], (H, FD)) * s, 'bu2': jnp.zeros((FD,)),
        'ln_g': jnp.ones((FD,)), 'ln_b': jnp.zeros((FD,)),
        'Wh1': jax.random.normal(ks[11], (FD, H)) * s, 'bh1': jnp.zeros((H,)),
        'Wh2': jax.random.normal(ks[12], (H, H)) * s, 'bh2': jnp.zeros((H,)),
        'Wh3': jax.random.normal(ks[13], (H, NC)) * s, 'bh3': jnp.zeros((NC,)),
    }
    return {'node_feat': node_feat, 'edge_attr': edge_attr, 'params': params,
            'edge_index': edge_index, 'batch': batch}


def _forward(node_feat, edge_attr, params, edge_index, batch):
    p = params
    src = edge_index[0]
    dst = edge_index[1]
    # input MLPs + input_process (tanh * pi)
    nf = jnp.tanh(_mlp_bn(node_feat, p['Wn1'], p['bn1'], p['Wn2'], p['bn2'])) * np.pi
    ef = jnp.tanh(_mlp_bn(edge_attr, p['We1'], p['be1'], p['We2'], p['be2'])) * np.pi
    # deterministic graphlet sampling: first K neighbors per destination node
    order = jnp.argsort(dst)
    dst_s = dst[order]
    src_s = src[order]
    first = jnp.searchsorted(dst_s, dst_s, side='left')
    rank = jnp.arange(E) - first
    keep = rank < K
    row = jnp.where(keep, dst_s, N)
    col = jnp.clip(rank, 0, K - 1)
    nbr = jnp.zeros((N + 1, K), jnp.int32).at[row, col].set(src_s)[:N]
    eid = jnp.zeros((N + 1, K), jnp.int32).at[row, col].set(order.astype(jnp.int32))[:N]
    msk = jnp.zeros((N + 1, K), jnp.float32).at[row, col].set(1.0)[:N]
    nbr_ft = nf[nbr] * msk[..., None]
    e_ft = ef[eid] * msk[..., None]
    # quantum message-passing PQC surrogate: expvals of rotated inputs
    inp = jnp.concatenate([e_ft.reshape(N, -1), nf, nbr_ft.reshape(N, -1)], axis=1)
    msg = jnp.cos(inp @ p['Wq'])  # [N, 3] expectation values in [-1, 1]
    # update MLP (leaky_relu, no norm)
    h = jax.nn.leaky_relu(jnp.concatenate([nf, msg], axis=1) @ p['Wu1'] + p['bu1'], 0.01)
    upd = h @ p['Wu2'] + p['bu2']
    has_in = (msk.sum(axis=1) > 0).astype(nf.dtype)
    un = upd * has_in[:, None]  # index_add of per-center updates
    m = un.mean(axis=-1, keepdims=True)
    v = un.var(axis=-1, keepdims=True)
    nf = (un - m) / jnp.sqrt(v + 1e-5) * p['ln_g'] + p['ln_b'] + nf
    # global add pool over graphs
    g = jax.ops.segment_sum(nf, batch, num_segments=NG)
    h1 = jax.nn.leaky_relu(_bn(g @ p['Wh1'] + p['bh1']), 0.01)
    h2 = jax.nn.leaky_relu(_bn(h1 @ p['Wh2'] + p['bh2']), 0.01)
    return h2 @ p['Wh3'] + p['bh3']


def reference(node_feat, edge_attr, params, edge_index, batch):
    return _forward(node_feat, edge_attr, params, edge_index, batch)

if __name__ == "__main__":
    import jax
    _d = setup_inputs()
    print(jax.jit(kernel)(*tuple(_d.values())))

</pallas_src>

<mosaic_0001>
#map = affine_map<(d0, d1) -> (0)>
#map1 = affine_map<(d0, d1) -> (0, 0)>
module attributes {stable_mosaic.version = 14 : i64} {
  func.func @_sc1_body(%arg0: i32, %arg1: i32, %arg2: memref<160256xi32, #tpu.memory_space<hbm>>, %arg3: memref<10016xi32, #tpu.memory_space<hbm>>, %arg4: memref<32x10016xi32, #tpu.memory_space<hbm>>, %arg5: memref<5008xi32, #tpu.memory_space<vmem>>, %arg6: memref<10016xi32, #tpu.memory_space<vmem>>) attributes {dimension_semantics = [#tpu.dimension_semantics<core_parallel>, #tpu.dimension_semantics<subcore_parallel>], iteration_bounds = array<i64: 2, 16>, scalar_prefetch = 0 : i64, scratch_operands = 2 : i64, tpu.core_type = #tpu.core_type<sc_vector_subcore>, window_params = [{transform_indices = #map}, {transform_indices = #map}, {transform_indices = #map1}]} {
    %mul3A = arith.constant 16 : i32
    %mul3A_0 = arith.muli %arg0, %mul3A : i32
    %add3A = arith.addi %mul3A_0, %arg1 : i32
    "tpu.region"() ({
      %run_scoped3A = tpu.sem_alloc : memref<!tpu.dma_semaphore, #tpu.memory_space<semaphore_mem>>
      tpu.enqueue_dma source(%arg3 : memref<10016xi32, #tpu.memory_space<hbm>>) target(%arg6 : memref<10016xi32, #tpu.memory_space<vmem>>) target_semaphore(%run_scoped3A : memref<!tpu.dma_semaphore, #tpu.memory_space<semaphore_mem>>)
      tpu.wait_dma2 semaphore(%run_scoped3A : memref<!tpu.dma_semaphore, #tpu.memory_space<semaphore_mem>>) src(%arg3 : memref<10016xi32, #tpu.memory_space<hbm>>) dst(%arg6 : memref<10016xi32, #tpu.memory_space<vmem>>)
      tpu.yield
    }) : () -> ()
    %mul3A_1 = arith.constant 5008 : i32
    %mul3A_2 = arith.muli %add3A, %mul3A_1 : i32
    "tpu.region"() ({
      %run_scoped3A = tpu.sem_alloc : memref<!tpu.dma_semaphore, #tpu.memory_space<semaphore_mem>>
      %dma_start3A = tpu.memref_slice %arg2[%mul3A_2] : memref<160256xi32, #tpu.memory_space<hbm>> -> memref<5008xi32, #tpu.memory_space<hbm>>
      %dma_start3A_18 = tpu.memref_slice %arg2[%mul3A_2] : memref<160256xi32, #tpu.memory_space<hbm>> -> memref<5008xi32, #tpu.memory_space<hbm>>
      tpu.enqueue_dma source(%dma_start3A_18 : memref<5008xi32, #tpu.memory_space<hbm>>) target(%arg5 : memref<5008xi32, #tpu.memory_space<vmem>>) target_semaphore(%run_scoped3A : memref<!tpu.dma_semaphore, #tpu.memory_space<semaphore_mem>>)
      %dma_wait3A = tpu.memref_slice %arg2[%mul3A_2] : memref<160256xi32, #tpu.memory_space<hbm>> -> memref<5008xi32, #tpu.memory_space<hbm>>
      %dma_wait3A_19 = tpu.memref_slice %arg2[%mul3A_2] : memref<160256xi32, #tpu.memory_space<hbm>> -> memref<5008xi32, #tpu.memory_space<hbm>>
      tpu.wait_dma2 semaphore(%run_scoped3A : memref<!tpu.dma_semaphore, #tpu.memory_space<semaphore_mem>>) src(%dma_wait3A_19 : memref<5008xi32, #tpu.memory_space<hbm>>) dst(%arg5 : memref<5008xi32, #tpu.memory_space<vmem>>)
      tpu.yield
    }) : () -> ()
    %broadcast_in_dim3A = arith.constant 0 : i32
    %broadcast_in_dim3A_3 = vector.broadcast %broadcast_in_dim3A : i32 to vector<16xi32>
    %broadcast_in_dim3A_4 = arith.constant true
    %broadcast_in_dim3A_5 = vector.broadcast %broadcast_in_dim3A_4 : i1 to vector<16xi1>
    %unique3A, %unique3A_6 = tpu.scan_count mask(%broadcast_in_dim3A_5 : vector<16xi1>) value(%broadcast_in_dim3A_3 : vector<16xi32>) : vector<16xi1>, vector<16xi32>
    %reduce_min3A = arith.constant true
    %reduce_min3A_7 = vector.broadcast %reduce_min3A : i1 to vector<16xi1>
    %reduce_min3A_8 = arith.constant -2147483648 : i32
    %reduce_min3A_9 = vector.broadcast %reduce_min3A_8 : i32 to vector<16xi32>
    %reduce_min3A_10 = arith.xori %unique3A_6, %reduce_min3A_9 : vector<16xi32>
    %reduce_min3A_11 = tpu.scan <min>, %reduce_min3A_10 masked %reduce_min3A_7 : vector<16xi32>, vector<16xi1> -> vector<16xi32>
    %reduce_min3A_12 = arith.xori %reduce_min3A_11, %reduce_min3A_9 : vector<16xi32>
    %reduce_min3A_13 = vector.extract %reduce_min3A_12[15] : i32 from vector<16xi32>
    %scan3A = arith.constant 0 : i32
    %scan3A_14 = arith.constant 313 : i32
    %scan3A_15 = arith.addi %scan3A, %scan3A_14 : i32
    %scan3A_16 = arith.constant 1 : i32
    scf.for %scan3A_18 = %scan3A to %scan3A_15 step %scan3A_16  : i32 {
      %mul3A_19 = arith.constant 1 : i32
      %mul3A_20 = arith.muli %scan3A_18, %mul3A_19 : i32
      %add3A_21 = arith.constant 0 : i32
      %add3A_22 = arith.addi %add3A_21, %mul3A_20 : i32
      %mul3A_23 = arith.constant 16 : i32
      %mul3A_24 = arith.muli %add3A_22, %mul3A_23 : i32
      %get3A = arith.index_cast %mul3A_24 : i32 to index
      %get3A_25 = tpu.vector_load %arg5[%get3A] {strides = array<i32>} : memref<5008xi32, #tpu.memory_space<vmem>>, vector<16xi32>,
      %broadcast_in_dim3A_26 = arith.constant true
      %broadcast_in_dim3A_27 = vector.broadcast %broadcast_in_dim3A_26 : i1 to vector<16xi1>
      %unique3A_28, %unique3A_29 = tpu.scan_count mask(%broadcast_in_dim3A_27 : vector<16xi1>) value(%get3A_25 : vector<16xi32>) : vector<16xi1>, vector<16xi32>
      %gather3A = tpu.vector_load_idx %arg6[%get3A_25] : memref<10016xi32, #tpu.memory_space<vmem>>[vector<16xi32>], vector<16xi32>,
      %sub3A = vector.broadcast %reduce_min3A_13 : i32 to vector<16xi32>
      %sub3A_30 = arith.subi %unique3A_29, %sub3A : vector<16xi32>
      %add3A_31 = arith.addi %gather3A, %sub3A_30 : vector<16xi32>
      %add3A_32 = arith.constant 1 : i32
      %add3A_33 = vector.broadcast %add3A_32 : i32 to vector<16xi32>
      %add3A_34 = arith.addi %add3A_31, %add3A_33 : vector<16xi32>
      tpu.vector_store_idx %arg6[%get3A_25], %add3A_34 masked %unique3A_28 : memref<10016xi32, #tpu.memory_space<vmem>>[vector<16xi32>], vector<16xi32>, vector<16xi1>
    }
    %scan3A_17 = arith.constant 313 : i32
    "tpu.region"() ({
      %run_scoped3A = tpu.sem_alloc : memref<!tpu.dma_semaphore, #tpu.memory_space<semaphore_mem>>
      %dma_start3A = arith.constant 0 : i32
      %dma_start3A_18 = tpu.memref_slice %arg4[%add3A, %dma_start3A] : memref<32x10016xi32, #tpu.memory_space<hbm>> -> memref<1x10016xi32, #tpu.memory_space<hbm>>
      %dma_start3A_19 = tpu.memref_squeeze %dma_start3A_18 : memref<1x10016xi32, #tpu.memory_space<hbm>> -> memref<10016xi32, #tpu.memory_space<hbm>>
      %dma_start3A_20 = arith.constant 0 : i32
      %dma_start3A_21 = tpu.memref_slice %arg4[%add3A, %dma_start3A_20] : memref<32x10016xi32, #tpu.memory_space<hbm>> -> memref<1x10016xi32, #tpu.memory_space<hbm>>
      %dma_start3A_22 = tpu.memref_squeeze %dma_start3A_21 : memref<1x10016xi32, #tpu.memory_space<hbm>> -> memref<10016xi32, #tpu.memory_space<hbm>>
      tpu.enqueue_dma source(%arg6 : memref<10016xi32, #tpu.memory_space<vmem>>) target(%dma_start3A_22 : memref<10016xi32, #tpu.memory_space<hbm>>) target_semaphore(%run_scoped3A : memref<!tpu.dma_semaphore, #tpu.memory_space<semaphore_mem>>)
      %dma_wait3A = arith.constant 0 : i32
      %dma_wait3A_23 = tpu.memref_slice %arg4[%add3A, %dma_wait3A] : memref<32x10016xi32, #tpu.memory_space<hbm>> -> memref<1x10016xi32, #tpu.memory_space<hbm>>
      %dma_wait3A_24 = tpu.memref_squeeze %dma_wait3A_23 : memref<1x10016xi32, #tpu.memory_space<hbm>> -> memref<10016xi32, #tpu.memory_space<hbm>>
      %dma_wait3A_25 = arith.constant 0 : i32
      %dma_wait3A_26 = tpu.memref_slice %arg4[%add3A, %dma_wait3A_25] : memref<32x10016xi32, #tpu.memory_space<hbm>> -> memref<1x10016xi32, #tpu.memory_space<hbm>>
      %dma_wait3A_27 = tpu.memref_squeeze %dma_wait3A_26 : memref<1x10016xi32, #tpu.memory_space<hbm>> -> memref<10016xi32, #tpu.memory_space<hbm>>
      tpu.wait_dma2 semaphore(%run_scoped3A : memref<!tpu.dma_semaphore, #tpu.memory_space<semaphore_mem>>) src(%arg6 : memref<10016xi32, #tpu.memory_space<vmem>>) dst(%dma_wait3A_27 : memref<10016xi32, #tpu.memory_space<hbm>>)
      tpu.yield
    }) : () -> ()
    return
  }
}

#map = affine_map<(d0, d1) -> (0)>
#map1 = affine_map<(d0, d1) -> (0, 0)>
#map2 = affine_map<(d0, d1) -> (0, 0, 0, 0)>
module attributes {stable_mosaic.version = 14 : i64} {
  func.func @_sc2_body(%arg0: i32, %arg1: i32, %arg2: memref<160256xi32, #tpu.memory_space<hbm>>, %arg3: memref<160256xi32, #tpu.memory_space<hbm>>, %arg4: memref<160256xf32, #tpu.memory_space<hbm>>, %arg5: memref<160256xf32, #tpu.memory_space<hbm>>, %arg6: memref<10000xf32, #tpu.memory_space<hbm>>, %arg7: memref<10000xf32, #tpu.memory_space<hbm>>, %arg8: memref<32x10016xi32, #tpu.memory_space<hbm>>, %arg9: memref<4x16xf32, #tpu.memory_space<hbm>>, %arg10: memref<3x10000xf32, #tpu.memory_space<hbm>>, %arg11: memref<32x3x3x10000xf32, #tpu.memory_space<hbm>>, %arg12: memref<10016xi32, #tpu.memory_space<vmem>>, %arg13: memref<10000xf32, #tpu.memory_space<vmem>>, %arg14: memref<10000xf32, #tpu.memory_space<vmem>>, %arg15: memref<2560xi32, #tpu.memory_space<vmem>>, %arg16: memref<2560xi32, #tpu.memory_space<vmem>>, %arg17: memref<2560xf32, #tpu.memory_space<vmem>>, %arg18: memref<2560xf32, #tpu.memory_space<vmem>>, %arg19: memref<16xf32, #tpu.memory_space<vmem>>, %arg20: memref<16xf32, #tpu.memory_space<vmem>>, %arg21: memref<16xf32, #tpu.memory_space<vmem>>, %arg22: memref<16xf32, #tpu.memory_space<vmem>>, %arg23: memref<3x10000xf32, #tpu.memory_space<vmem>>, %arg24: memref<3x10000xf32, #tpu.memory_space<vmem>>, %arg25: memref<3x10000xf32, #tpu.memory_space<vmem>>) attributes {dimension_semantics = [#tpu.dimension_semantics<core_parallel>, #tpu.dimension_semantics<subcore_parallel>], iteration_bounds = array<i64: 2, 16>, scalar_prefetch = 0 : i64, scratch_operands = 14 : i64, tpu.core_type = #tpu.core_type<sc_vector_subcore>, window_params = [{transform_indices = #map}, {transform_indices = #map}, {transform_indices = #map}, {transform_indices = #map}, {transform_indices = #map}, {transform_indices = #map}, {transform_indices = #map1}, {transform_indices = #map1}, {transform_indices = #map1}, {transform_indices = #map2}]} {
    %mul3A = arith.constant 16 : i32
    %mul3A_0 = arith.muli %arg0, %mul3A : i32
    %add3A = arith.addi %mul3A_0, %arg1 : i32
    "tpu.region"() ({
      %run_scoped3A_33 = tpu.sem_alloc : memref<!tpu.dma_semaphore, #tpu.memory_space<semaphore_mem>>
      %dma_start3A = arith.constant 0 : i32
      %dma_start3A_34 = tpu.memref_slice %arg8[%add3A, %dma_start3A] : memref<32x10016xi32, #tpu.memory_space<hbm>> -> memref<1x10016xi32, #tpu.memory_space<hbm>>
      %dma_start3A_35 = tpu.memref_squeeze %dma_start3A_34 : memref<1x10016xi32, #tpu.memory_space<hbm>> -> memref<10016xi32, #tpu.memory_space<hbm>>
      %dma_start3A_36 = arith.constant 0 : i32
      %dma_start3A_37 = tpu.memref_slice %arg8[%add3A, %dma_start3A_36] : memref<32x10016xi32, #tpu.memory_space<hbm>> -> memref<1x10016xi32, #tpu.memory_space<hbm>>
      %dma_start3A_38 = tpu.memref_squeeze %dma_start3A_37 : memref<1x10016xi32, #tpu.memory_space<hbm>> -> memref<10016xi32, #tpu.memory_space<hbm>>
      tpu.enqueue_dma source(%dma_start3A_38 : memref<10016xi32, #tpu.memory_space<hbm>>) target(%arg12 : memref<10016xi32, #tpu.memory_space<vmem>>) target_semaphore(%run_scoped3A_33 : memref<!tpu.dma_semaphore, #tpu.memory_space<semaphore_mem>>)
      %dma_wait3A = arith.constant 0 : i32
      %dma_wait3A_39 = tpu.memref_slice %arg8[%add3A, %dma_wait3A] : memref<32x10016xi32, #tpu.memory_space<hbm>> -> memref<1x10016xi32, #tpu.memory_space<hbm>>
      %dma_wait3A_40 = tpu.memref_squeeze %dma_wait3A_39 : memref<1x10016xi32, #tpu.memory_space<hbm>> -> memref<10016xi32, #tpu.memory_space<hbm>>
      %dma_wait3A_41 = arith.constant 0 : i32
      %dma_wait3A_42 = tpu.memref_slice %arg8[%add3A, %dma_wait3A_41] : memref<32x10016xi32, #tpu.memory_space<hbm>> -> memref<1x10016xi32, #tpu.memory_space<hbm>>
      %dma_wait3A_43 = tpu.memref_squeeze %dma_wait3A_42 : memref<1x10016xi32, #tpu.memory_space<hbm>> -> memref<10016xi32, #tpu.memory_space<hbm>>
      tpu.wait_dma2 semaphore(%run_scoped3A_33 : memref<!tpu.dma_semaphore, #tpu.memory_space<semaphore_mem>>) src(%dma_wait3A_43 : memref<10016xi32, #tpu.memory_space<hbm>>) dst(%arg12 : memref<10016xi32, #tpu.memory_space<vmem>>)
      tpu.yield
    }) : () -> ()
    "tpu.region"() ({
      %run_scoped3A_33 = tpu.sem_alloc : memref<!tpu.dma_semaphore, #tpu.memory_space<semaphore_mem>>
      tpu.enqueue_dma source(%arg6 : memref<10000xf32, #tpu.memory_space<hbm>>) target(%arg13 : memref<10000xf32, #tpu.memory_space<vmem>>) target_semaphore(%run_scoped3A_33 : memref<!tpu.dma_semaphore, #tpu.memory_space<semaphore_mem>>)
      tpu.wait_dma2 semaphore(%run_scoped3A_33 : memref<!tpu.dma_semaphore, #tpu.memory_space<semaphore_mem>>) src(%arg6 : memref<10000xf32, #tpu.memory_space<hbm>>) dst(%arg13 : memref<10000xf32, #tpu.memory_space<vmem>>)
      tpu.yield
    }) : () -> ()
    "tpu.region"() ({
      %run_scoped3A_33 = tpu.sem_alloc : memref<!tpu.dma_semaphore, #tpu.memory_space<semaphore_mem>>
      tpu.enqueue_dma source(%arg7 : memref<10000xf32, #tpu.memory_space<hbm>>) target(%arg14 : memref<10000xf32, #tpu.memory_space<vmem>>) target_semaphore(%run_scoped3A_33 : memref<!tpu.dma_semaphore, #tpu.memory_space<semaphore_mem>>)
      tpu.wait_dma2 semaphore(%run_scoped3A_33 : memref<!tpu.dma_semaphore, #tpu.memory_space<semaphore_mem>>) src(%arg7 : memref<10000xf32, #tpu.memory_space<hbm>>) dst(%arg14 : memref<10000xf32, #tpu.memory_space<vmem>>)
      tpu.yield
    }) : () -> ()
    %run_scoped3A = arith.constant 0 : i32
    "tpu.region"() ({
      %run_scoped3A_33 = tpu.sem_alloc : memref<!tpu.dma_semaphore, #tpu.memory_space<semaphore_mem>>
      %dma_start3A = arith.constant 0 : i32
      %dma_start3A_34 = tpu.memref_slice %arg9[%run_scoped3A, %dma_start3A] : memref<4x16xf32, #tpu.memory_space<hbm>> -> memref<1x16xf32, #tpu.memory_space<hbm>>
      %dma_start3A_35 = tpu.memref_squeeze %dma_start3A_34 : memref<1x16xf32, #tpu.memory_space<hbm>> -> memref<16xf32, #tpu.memory_space<hbm>>
      %dma_start3A_36 = arith.constant 0 : i32
      %dma_start3A_37 = tpu.memref_slice %arg9[%run_scoped3A, %dma_start3A_36] : memref<4x16xf32, #tpu.memory_space<hbm>> -> memref<1x16xf32, #tpu.memory_space<hbm>>
      %dma_start3A_38 = tpu.memref_squeeze %dma_start3A_37 : memref<1x16xf32, #tpu.memory_space<hbm>> -> memref<16xf32, #tpu.memory_space<hbm>>
      tpu.enqueue_dma source(%dma_start3A_38 : memref<16xf32, #tpu.memory_space<hbm>>) target(%arg19 : memref<16xf32, #tpu.memory_space<vmem>>) target_semaphore(%run_scoped3A_33 : memref<!tpu.dma_semaphore, #tpu.memory_space<semaphore_mem>>)
      %dma_wait3A = arith.constant 0 : i32
      %dma_wait3A_39 = tpu.memref_slice %arg9[%run_scoped3A, %dma_wait3A] : memref<4x16xf32, #tpu.memory_space<hbm>> -> memref<1x16xf32, #tpu.memory_space<hbm>>
      %dma_wait3A_40 = tpu.memref_squeeze %dma_wait3A_39 : memref<1x16xf32, #tpu.memory_space<hbm>> -> memref<16xf32, #tpu.memory_space<hbm>>
      %dma_wait3A_41 = arith.constant 0 : i32
      %dma_wait3A_42 = tpu.memref_slice %arg9[%run_scoped3A, %dma_wait3A_41] : memref<4x16xf32, #tpu.memory_space<hbm>> -> memref<1x16xf32, #tpu.memory_space<hbm>>
      %dma_wait3A_43 = tpu.memref_squeeze %dma_wait3A_42 : memref<1x16xf32, #tpu.memory_space<hbm>> -> memref<16xf32, #tpu.memory_space<hbm>>
      tpu.wait_dma2 semaphore(%run_scoped3A_33 : memref<!tpu.dma_semaphore, #tpu.memory_space<semaphore_mem>>) src(%dma_wait3A_43 : memref<16xf32, #tpu.memory_space<hbm>>) dst(%arg19 : memref<16xf32, #tpu.memory_space<vmem>>)
      tpu.yield
    }) : () -> ()
    %run_scoped3A_1 = arith.constant 1 : i32
    "tpu.region"() ({
      %run_scoped3A_33 = tpu.sem_alloc : memref<!tpu.dma_semaphore, #tpu.memory_space<semaphore_mem>>
      %dma_start3A = arith.constant 0 : i32
      %dma_start3A_34 = tpu.memref_slice %arg9[%run_scoped3A_1, %dma_start3A] : memref<4x16xf32, #tpu.memory_space<hbm>> -> memref<1x16xf32, #tpu.memory_space<hbm>>
      %dma_start3A_35 = tpu.memref_squeeze %dma_start3A_34 : memref<1x16xf32, #tpu.memory_space<hbm>> -> memref<16xf32, #tpu.memory_space<hbm>>
      %dma_start3A_36 = arith.constant 0 : i32
      %dma_start3A_37 = tpu.memref_slice %arg9[%run_scoped3A_1, %dma_start3A_36] : memref<4x16xf32, #tpu.memory_space<hbm>> -> memref<1x16xf32, #tpu.memory_space<hbm>>
      %dma_start3A_38 = tpu.memref_squeeze %dma_start3A_37 : memref<1x16xf32, #tpu.memory_space<hbm>> -> memref<16xf32, #tpu.memory_space<hbm>>
      tpu.enqueue_dma source(%dma_start3A_38 : memref<16xf32, #tpu.memory_space<hbm>>) target(%arg20 : memref<16xf32, #tpu.memory_space<vmem>>) target_semaphore(%run_scoped3A_33 : memref<!tpu.dma_semaphore, #tpu.memory_space<semaphore_mem>>)
      %dma_wait3A = arith.constant 0 : i32
      %dma_wait3A_39 = tpu.memref_slice %arg9[%run_scoped3A_1, %dma_wait3A] : memref<4x16xf32, #tpu.memory_space<hbm>> -> memref<1x16xf32, #tpu.memory_space<hbm>>
      %dma_wait3A_40 = tpu.memref_squeeze %dma_wait3A_39 : memref<1x16xf32, #tpu.memory_space<hbm>> -> memref<16xf32, #tpu.memory_space<hbm>>
      %dma_wait3A_41 = arith.constant 0 : i32
      %dma_wait3A_42 = tpu.memref_slice %arg9[%run_scoped3A_1, %dma_wait3A_41] : memref<4x16xf32, #tpu.memory_space<hbm>> -> memref<1x16xf32, #tpu.memory_space<hbm>>
      %dma_wait3A_43 = tpu.memref_squeeze %dma_wait3A_42 : memref<1x16xf32, #tpu.memory_space<hbm>> -> memref<16xf32, #tpu.memory_space<hbm>>
      tpu.wait_dma2 semaphore(%run_scoped3A_33 : memref<!tpu.dma_semaphore, #tpu.memory_space<semaphore_mem>>) src(%dma_wait3A_43 : memref<16xf32, #tpu.memory_space<hbm>>) dst(%arg20 : memref<16xf32, #tpu.memory_space<vmem>>)
      tpu.yield
    }) : () -> ()
    %run_scoped3A_2 = arith.constant 2 : i32
    "tpu.region"() ({
      %run_scoped3A_33 = tpu.sem_alloc : memref<!tpu.dma_semaphore, #tpu.memory_space<semaphore_mem>>
      %dma_start3A = arith.constant 0 : i32
      %dma_start3A_34 = tpu.memref_slice %arg9[%run_scoped3A_2, %dma_start3A] : memref<4x16xf32, #tpu.memory_space<hbm>> -> memref<1x16xf32, #tpu.memory_space<hbm>>
      %dma_start3A_35 = tpu.memref_squeeze %dma_start3A_34 : memref<1x16xf32, #tpu.memory_space<hbm>> -> memref<16xf32, #tpu.memory_space<hbm>>
      %dma_start3A_36 = arith.constant 0 : i32
      %dma_start3A_37 = tpu.memref_slice %arg9[%run_scoped3A_2, %dma_start3A_36] : memref<4x16xf32, #tpu.memory_space<hbm>> -> memref<1x16xf32, #tpu.memory_space<hbm>>
      %dma_start3A_38 = tpu.memref_squeeze %dma_start3A_37 : memref<1x16xf32, #tpu.memory_space<hbm>> -> memref<16xf32, #tpu.memory_space<hbm>>
      tpu.enqueue_dma source(%dma_start3A_38 : memref<16xf32, #tpu.memory_space<hbm>>) target(%arg21 : memref<16xf32, #tpu.memory_space<vmem>>) target_semaphore(%run_scoped3A_33 : memref<!tpu.dma_semaphore, #tpu.memory_space<semaphore_mem>>)
      %dma_wait3A = arith.constant 0 : i32
      %dma_wait3A_39 = tpu.memref_slice %arg9[%run_scoped3A_2, %dma_wait3A] : memref<4x16xf32, #tpu.memory_space<hbm>> -> memref<1x16xf32, #tpu.memory_space<hbm>>
      %dma_wait3A_40 = tpu.memref_squeeze %dma_wait3A_39 : memref<1x16xf32, #tpu.memory_space<hbm>> -> memref<16xf32, #tpu.memory_space<hbm>>
      %dma_wait3A_41 = arith.constant 0 : i32
      %dma_wait3A_42 = tpu.memref_slice %arg9[%run_scoped3A_2, %dma_wait3A_41] : memref<4x16xf32, #tpu.memory_space<hbm>> -> memref<1x16xf32, #tpu.memory_space<hbm>>
      %dma_wait3A_43 = tpu.memref_squeeze %dma_wait3A_42 : memref<1x16xf32, #tpu.memory_space<hbm>> -> memref<16xf32, #tpu.memory_space<hbm>>
      tpu.wait_dma2 semaphore(%run_scoped3A_33 : memref<!tpu.dma_semaphore, #tpu.memory_space<semaphore_mem>>) src(%dma_wait3A_43 : memref<16xf32, #tpu.memory_space<hbm>>) dst(%arg21 : memref<16xf32, #tpu.memory_space<vmem>>)
      tpu.yield
    }) : () -> ()
    %run_scoped3A_3 = arith.constant 3 : i32
    "tpu.region"() ({
      %run_scoped3A_33 = tpu.sem_alloc : memref<!tpu.dma_semaphore, #tpu.memory_space<semaphore_mem>>
      %dma_start3A = arith.constant 0 : i32
      %dma_start3A_34 = tpu.memref_slice %arg9[%run_scoped3A_3, %dma_start3A] : memref<4x16xf32, #tpu.memory_space<hbm>> -> memref<1x16xf32, #tpu.memory_space<hbm>>
      %dma_start3A_35 = tpu.memref_squeeze %dma_start3A_34 : memref<1x16xf32, #tpu.memory_space<hbm>> -> memref<16xf32, #tpu.memory_space<hbm>>
      %dma_start3A_36 = arith.constant 0 : i32
      %dma_start3A_37 = tpu.memref_slice %arg9[%run_scoped3A_3, %dma_start3A_36] : memref<4x16xf32, #tpu.memory_space<hbm>> -> memref<1x16xf32, #tpu.memory_space<hbm>>
      %dma_start3A_38 = tpu.memref_squeeze %dma_start3A_37 : memref<1x16xf32, #tpu.memory_space<hbm>> -> memref<16xf32, #tpu.memory_space<hbm>>
      tpu.enqueue_dma source(%dma_start3A_38 : memref<16xf32, #tpu.memory_space<hbm>>) target(%arg22 : memref<16xf32, #tpu.memory_space<vmem>>) target_semaphore(%run_scoped3A_33 : memref<!tpu.dma_semaphore, #tpu.memory_space<semaphore_mem>>)
      %dma_wait3A = arith.constant 0 : i32
      %dma_wait3A_39 = tpu.memref_slice %arg9[%run_scoped3A_3, %dma_wait3A] : memref<4x16xf32, #tpu.memory_space<hbm>> -> memref<1x16xf32, #tpu.memory_space<hbm>>
      %dma_wait3A_40 = tpu.memref_squeeze %dma_wait3A_39 : memref<1x16xf32, #tpu.memory_space<hbm>> -> memref<16xf32, #tpu.memory_space<hbm>>
      %dma_wait3A_41 = arith.constant 0 : i32
      %dma_wait3A_42 = tpu.memref_slice %arg9[%run_scoped3A_3, %dma_wait3A_41] : memref<4x16xf32, #tpu.memory_space<hbm>> -> memref<1x16xf32, #tpu.memory_space<hbm>>
      %dma_wait3A_43 = tpu.memref_squeeze %dma_wait3A_42 : memref<1x16xf32, #tpu.memory_space<hbm>> -> memref<16xf32, #tpu.memory_space<hbm>>
      tpu.wait_dma2 semaphore(%run_scoped3A_33 : memref<!tpu.dma_semaphore, #tpu.memory_space<semaphore_mem>>) src(%dma_wait3A_43 : memref<16xf32, #tpu.memory_space<hbm>>) dst(%arg22 : memref<16xf32, #tpu.memory_space<vmem>>)
      tpu.yield
    }) : () -> ()
    "tpu.region"() ({
      %run_scoped3A_33 = tpu.sem_alloc : memref<!tpu.dma_semaphore, #tpu.memory_space<semaphore_mem>>
      tpu.enqueue_dma source(%arg10 : memref<3x10000xf32, #tpu.memory_space<hbm>>) target(%arg23 : memref<3x10000xf32, #tpu.memory_space<vmem>>) target_semaphore(%run_scoped3A_33 : memref<!tpu.dma_semaphore, #tpu.memory_space<semaphore_mem>>)
      tpu.wait_dma2 semaphore(%run_scoped3A_33 : memref<!tpu.dma_semaphore, #tpu.memory_space<semaphore_mem>>) src(%arg10 : memref<3x10000xf32, #tpu.memory_space<hbm>>) dst(%arg23 : memref<3x10000xf32, #tpu.memory_space<vmem>>)
      tpu.yield
    }) : () -> ()
    "tpu.region"() ({
      %run_scoped3A_33 = tpu.sem_alloc : memref<!tpu.dma_semaphore, #tpu.memory_space<semaphore_mem>>
      tpu.enqueue_dma source(%arg10 : memref<3x10000xf32, #tpu.memory_space<hbm>>) target(%arg24 : memref<3x10000xf32, #tpu.memory_space<vmem>>) target_semaphore(%run_scoped3A_33 : memref<!tpu.dma_semaphore, #tpu.memory_space<semaphore_mem>>)
      tpu.wait_dma2 semaphore(%run_scoped3A_33 : memref<!tpu.dma_semaphore, #tpu.memory_space<semaphore_mem>>) src(%arg10 : memref<3x10000xf32, #tpu.memory_space<hbm>>) dst(%arg24 : memref<3x10000xf32, #tpu.memory_space<vmem>>)
      tpu.yield
    }) : () -> ()
    "tpu.region"() ({
      %run_scoped3A_33 = tpu.sem_alloc : memref<!tpu.dma_semaphore, #tpu.memory_space<semaphore_mem>>
      tpu.enqueue_dma source(%arg10 : memref<3x10000xf32, #tpu.memory_space<hbm>>) target(%arg25 : memref<3x10000xf32, #tpu.memory_space<vmem>>) target_semaphore(%run_scoped3A_33 : memref<!tpu.dma_semaphore, #tpu.memory_space<semaphore_mem>>)
      tpu.wait_dma2 semaphore(%run_scoped3A_33 : memref<!tpu.dma_semaphore, #tpu.memory_space<semaphore_mem>>) src(%arg10 : memref<3x10000xf32, #tpu.memory_space<hbm>>) dst(%arg25 : memref<3x10000xf32, #tpu.memory_space<vmem>>)
      tpu.yield
    }) : () -> ()
    %broadcast_in_dim3A = arith.constant 0 : i32
    %broadcast_in_dim3A_4 = vector.broadcast %broadcast_in_dim3A : i32 to vector<16xi32>
    %broadcast_in_dim3A_5 = arith.constant true
    %broadcast_in_dim3A_6 = vector.broadcast %broadcast_in_dim3A_5 : i1 to vector<16xi1>
    %unique3A, %unique3A_7 = tpu.scan_count mask(%broadcast_in_dim3A_6 : vector<16xi1>) value(%broadcast_in_dim3A_4 : vector<16xi32>) : vector<16xi1>, vector<16xi32>
    %reduce_min3A = arith.constant true
    %reduce_min3A_8 = vector.broadcast %reduce_min3A : i1 to vector<16xi1>
    %reduce_min3A_9 = arith.constant -2147483648 : i32
    %reduce_min3A_10 = vector.broadcast %reduce_min3A_9 : i32 to vector<16xi32>
    %reduce_min3A_11 = arith.xori %unique3A_7, %reduce_min3A_10 : vector<16xi32>
    %reduce_min3A_12 = tpu.scan <min>, %reduce_min3A_11 masked %reduce_min3A_8 : vector<16xi32>, vector<16xi1> -> vector<16xi32>
    %reduce_min3A_13 = arith.xori %reduce_min3A_12, %reduce_min3A_10 : vector<16xi32>
    %reduce_min3A_14 = vector.extract %reduce_min3A_13[15] : i32 from vector<16xi32>
    %mul3A_15 = arith.constant 5008 : i32
    %mul3A_16 = arith.muli %add3A, %mul3A_15 : i32
    %add3A_17 = arith.constant 0 : i32
    %add3A_18 = arith.addi %mul3A_16, %add3A_17 : i32
    "tpu.region"() ({
      %run_scoped3A_33 = tpu.sem_alloc : memref<!tpu.dma_semaphore, #tpu.memory_space<semaphore_mem>>
      %dma_start3A = arith.constant 0 : i32
      %dma_start3A_34 = tpu.memref_slice %arg15[%dma_start3A] : memref<2560xi32, #tpu.memory_space<vmem>> -> memref<2560xi32, #tpu.memory_space<vmem>>
      %dma_start3A_35 = tpu.memref_slice %arg2[%add3A_18] : memref<160256xi32, #tpu.memory_space<hbm>> -> memref<2560xi32, #tpu.memory_space<hbm>>
      %dma_start3A_36 = arith.constant 0 : i32
      %dma_start3A_37 = tpu.memref_slice %arg15[%dma_start3A_36] : memref<2560xi32, #tpu.memory_space<vmem>> -> memref<2560xi32, #tpu.memory_space<vmem>>
      %dma_start3A_38 = tpu.memref_slice %arg2[%add3A_18] : memref<160256xi32, #tpu.memory_space<hbm>> -> memref<2560xi32, #tpu.memory_space<hbm>>
      tpu.enqueue_dma source(%dma_start3A_38 : memref<2560xi32, #tpu.memory_space<hbm>>) target(%dma_start3A_37 : memref<2560xi32, #tpu.memory_space<vmem>>) target_semaphore(%run_scoped3A_33 : memref<!tpu.dma_semaphore, #tpu.memory_space<semaphore_mem>>)
      %dma_wait3A = arith.constant 0 : i32
      %dma_wait3A_39 = tpu.memref_slice %arg15[%dma_wait3A] : memref<2560xi32, #tpu.memory_space<vmem>> -> memref<2560xi32, #tpu.memory_space<vmem>>
      %dma_wait3A_40 = tpu.memref_slice %arg2[%add3A_18] : memref<160256xi32, #tpu.memory_space<hbm>> -> memref<2560xi32, #tpu.memory_space<hbm>>
      %dma_wait3A_41 = arith.constant 0 : i32
      %dma_wait3A_42 = tpu.memref_slice %arg15[%dma_wait3A_41] : memref<2560xi32, #tpu.memory_space<vmem>> -> memref<2560xi32, #tpu.memory_space<vmem>>
      %dma_wait3A_43 = tpu.memref_slice %arg2[%add3A_18] : memref<160256xi32, #tpu.memory_space<hbm>> -> memref<2560xi32, #tpu.memory_space<hbm>>
      tpu.wait_dma2 semaphore(%run_scoped3A_33 : memref<!tpu.dma_semaphore, #tpu.memory_space<semaphore_mem>>) src(%dma_wait3A_43 : memref<2560xi32, #tpu.memory_space<hbm>>) dst(%dma_wait3A_42 : memref<2560xi32, #tpu.memory_space<vmem>>)
      tpu.yield
    }) : () -> ()
    "tpu.region"() ({
      %run_scoped3A_33 = tpu.sem_alloc : memref<!tpu.dma_semaphore, #tpu.memory_space<semaphore_mem>>
      %dma_start3A = arith.constant 0 : i32
      %dma_start3A_34 = tpu.memref_slice %arg16[%dma_start3A] : memref<2560xi32, #tpu.memory_space<vmem>> -> memref<2560xi32, #tpu.memory_space<vmem>>
      %dma_start3A_35 = tpu.memref_slice %arg3[%add3A_18] : memref<160256xi32, #tpu.memory_space<hbm>> -> memref<2560xi32, #tpu.memory_space<hbm>>
      %dma_start3A_36 = arith.constant 0 : i32
      %dma_start3A_37 = tpu.memref_slice %arg16[%dma_start3A_36] : memref<2560xi32, #tpu.memory_space<vmem>> -> memref<2560xi32, #tpu.memory_space<vmem>>
      %dma_start3A_38 = tpu.memref_slice %arg3[%add3A_18] : memref<160256xi32, #tpu.memory_space<hbm>> -> memref<2560xi32, #tpu.memory_space<hbm>>
      tpu.enqueue_dma source(%dma_start3A_38 : memref<2560xi32, #tpu.memory_space<hbm>>) target(%dma_start3A_37 : memref<2560xi32, #tpu.memory_space<vmem>>) target_semaphore(%run_scoped3A_33 : memref<!tpu.dma_semaphore, #tpu.memory_space<semaphore_mem>>)
      %dma_wait3A = arith.constant 0 : i32
      %dma_wait3A_39 = tpu.memref_slice %arg16[%dma_wait3A] : memref<2560xi32, #tpu.memory_space<vmem>> -> memref<2560xi32, #tpu.memory_space<vmem>>
      %dma_wait3A_40 = tpu.memref_slice %arg3[%add3A_18] : memref<160256xi32, #tpu.memory_space<hbm>> -> memref<2560xi32, #tpu.memory_space<hbm>>
      %dma_wait3A_41 = arith.constant 0 : i32
      %dma_wait3A_42 = tpu.memref_slice %arg16[%dma_wait3A_41] : memref<2560xi32, #tpu.memory_space<vmem>> -> memref<2560xi32, #tpu.memory_space<vmem>>
      %dma_wait3A_43 = tpu.memref_slice %arg3[%add3A_18] : memref<160256xi32, #tpu.memory_space<hbm>> -> memref<2560xi32, #tpu.memory_space<hbm>>
      tpu.wait_dma2 semaphore(%run_scoped3A_33 : memref<!tpu.dma_semaphore, #tpu.memory_space<semaphore_mem>>) src(%dma_wait3A_43 : memref<2560xi32, #tpu.memory_space<hbm>>) dst(%dma_wait3A_42 : memref<2560xi32, #tpu.memory_space<vmem>>)
      tpu.yield
    }) : () -> ()
    "tpu.region"() ({
      %run_scoped3A_33 = tpu.sem_alloc : memref<!tpu.dma_semaphore, #tpu.memory_space<semaphore_mem>>
      %dma_start3A = arith.constant 0 : i32
      %dma_start3A_34 = tpu.memref_slice %arg17[%dma_start3A] : memref<2560xf32, #tpu.memory_space<vmem>> -> memref<2560xf32, #tpu.memory_space<vmem>>
      %dma_start3A_35 = tpu.memref_slice %arg4[%add3A_18] : memref<160256xf32, #tpu.memory_space<hbm>> -> memref<2560xf32, #tpu.memory_space<hbm>>
      %dma_start3A_36 = arith.constant 0 : i32
      %dma_start3A_37 = tpu.memref_slice %arg17[%dma_start3A_36] : memref<2560xf32, #tpu.memory_space<vmem>> -> memref<2560xf32, #tpu.memory_space<vmem>>
      %dma_start3A_38 = tpu.memref_slice %arg4[%add3A_18] : memref<160256xf32, #tpu.memory_space<hbm>> -> memref<2560xf32, #tpu.memory_space<hbm>>
      tpu.enqueue_dma source(%dma_start3A_38 : memref<2560xf32, #tpu.memory_space<hbm>>) target(%dma_start3A_37 : memref<2560xf32, #tpu.memory_space<vmem>>) target_semaphore(%run_scoped3A_33 : memref<!tpu.dma_semaphore, #tpu.memory_space<semaphore_mem>>)
      %dma_wait3A = arith.constant 0 : i32
      %dma_wait3A_39 = tpu.memref_slice %arg17[%dma_wait3A] : memref<2560xf32, #tpu.memory_space<vmem>> -> memref<2560xf32, #tpu.memory_space<vmem>>
      %dma_wait3A_40 = tpu.memref_slice %arg4[%add3A_18] : memref<160256xf32, #tpu.memory_space<hbm>> -> memref<2560xf32, #tpu.memory_space<hbm>>
      %dma_wait3A_41 = arith.constant 0 : i32
      %dma_wait3A_42 = tpu.memref_slice %arg17[%dma_wait3A_41] : memref<2560xf32, #tpu.memory_space<vmem>> -> memref<2560xf32, #tpu.memory_space<vmem>>
      %dma_wait3A_43 = tpu.memref_slice %arg4[%add3A_18] : memref<160256xf32, #tpu.memory_space<hbm>> -> memref<2560xf32, #tpu.memory_space<hbm>>
      tpu.wait_dma2 semaphore(%run_scoped3A_33 : memref<!tpu.dma_semaphore, #tpu.memory_space<semaphore_mem>>) src(%dma_wait3A_43 : memref<2560xf32, #tpu.memory_space<hbm>>) dst(%dma_wait3A_42 : memref<2560xf32, #tpu.memory_space<vmem>>)
      tpu.yield
    }) : () -> ()
    "tpu.region"() ({
      %run_scoped3A_33 = tpu.sem_alloc : memref<!tpu.dma_semaphore, #tpu.memory_space<semaphore_mem>>
      %dma_start3A = arith.constant 0 : i32
      %dma_start3A_34 = tpu.memref_slice %arg18[%dma_start3A] : memref<2560xf32, #tpu.memory_space<vmem>> -> memref<2560xf32, #tpu.memory_space<vmem>>
      %dma_start3A_35 = tpu.memref_slice %arg5[%add3A_18] : memref<160256xf32, #tpu.memory_space<hbm>> -> memref<2560xf32, #tpu.memory_space<hbm>>
      %dma_start3A_36 = arith.constant 0 : i32
      %dma_start3A_37 = tpu.memref_slice %arg18[%dma_start3A_36] : memref<2560xf32, #tpu.memory_space<vmem>> -> memref<2560xf32, #tpu.memory_space<vmem>>
      %dma_start3A_38 = tpu.memref_slice %arg5[%add3A_18] : memref<160256xf32, #tpu.memory_space<hbm>> -> memref<2560xf32, #tpu.memory_space<hbm>>
      tpu.enqueue_dma source(%dma_start3A_38 : memref<2560xf32, #tpu.memory_space<hbm>>) target(%dma_start3A_37 : memref<2560xf32, #tpu.memory_space<vmem>>) target_semaphore(%run_scoped3A_33 : memref<!tpu.dma_semaphore, #tpu.memory_space<semaphore_mem>>)
      %dma_wait3A = arith.constant 0 : i32
      %dma_wait3A_39 = tpu.memref_slice %arg18[%dma_wait3A] : memref<2560xf32, #tpu.memory_space<vmem>> -> memref<2560xf32, #tpu.memory_space<vmem>>
      %dma_wait3A_40 = tpu.memref_slice %arg5[%add3A_18] : memref<160256xf32, #tpu.memory_space<hbm>> -> memref<2560xf32, #tpu.memory_space<hbm>>
      %dma_wait3A_41 = arith.constant 0 : i32
      %dma_wait3A_42 = tpu.memref_slice %arg18[%dma_wait3A_41] : memref<2560xf32, #tpu.memory_space<vmem>> -> memref<2560xf32, #tpu.memory_space<vmem>>
      %dma_wait3A_43 = tpu.memref_slice %arg5[%add3A_18] : memref<160256xf32, #tpu.memory_space<hbm>> -> memref<2560xf32, #tpu.memory_space<hbm>>
      tpu.wait_dma2 semaphore(%run_scoped3A_33 : memref<!tpu.dma_semaphore, #tpu.memory_space<semaphore_mem>>) src(%dma_wait3A_43 : memref<2560xf32, #tpu.memory_space<hbm>>) dst(%dma_wait3A_42 : memref<2560xf32, #tpu.memory_space<vmem>>)
      tpu.yield
    }) : () -> ()
    %scan3A = arith.constant 0 : i32
    %scan3A_19 = arith.constant 160 : i32
    %scan3A_20 = arith.addi %scan3A, %scan3A_19 : i32
    %scan3A_21 = arith.constant 1 : i32
    scf.for %scan3A_33 = %scan3A to %scan3A_20 step %scan3A_21  : i32 {
      %mul3A_34 = arith.constant 1 : i32
      %mul3A_35 = arith.muli %scan3A_33, %mul3A_34 : i32
      %add3A_36 = arith.constant 0 : i32
      %add3A_37 = arith.addi %add3A_36, %mul3A_35 : i32
      %mul3A_38 = arith.constant 16 : i32
      %mul3A_39 = arith.muli %add3A_37, %mul3A_38 : i32
      %get3A = arith.index_cast %mul3A_39 : i32 to index
      %get3A_40 = tpu.vector_load %arg15[%get3A] {strides = array<i32>} : memref<2560xi32, #tpu.memory_space<vmem>>, vector<16xi32>,
      %mul3A_41 = arith.constant 16 : i32
      %mul3A_42 = arith.muli %add3A_37, %mul3A_41 : i32
      %get3A_43 = arith.index_cast %mul3A_42 : i32 to index
      %get3A_44 = tpu.vector_load %arg16[%get3A_43] {strides = array<i32>} : memref<2560xi32, #tpu.memory_space<vmem>>, vector<16xi32>,
      %broadcast_in_dim3A_45 = arith.constant true
      %broadcast_in_dim3A_46 = vector.broadcast %broadcast_in_dim3A_45 : i1 to vector<16xi1>
      %unique3A_47, %unique3A_48 = tpu.scan_count mask(%broadcast_in_dim3A_46 : vector<16xi1>) value(%get3A_40 : vector<16xi32>) : vector<16xi1>, vector<16xi32>
      %sub3A = vector.broadcast %reduce_min3A_14 : i32 to vector<16xi32>
      %sub3A_49 = arith.subi %unique3A_48, %sub3A : vector<16xi32>
      %gather3A = tpu.vector_load_idx %arg12[%get3A_40] : memref<10016xi32, #tpu.memory_space<vmem>>[vector<16xi32>], vector<16xi32>,
      %add3A_50 = arith.addi %gather3A, %sub3A_49 : vector<16xi32>
      %add3A_51 = arith.constant 1 : i32
      %add3A_52 = vector.broadcast %add3A_51 : i32 to vector<16xi32>
      %add3A_53 = arith.addi %add3A_50, %add3A_52 : vector<16xi32>
      tpu.vector_store_idx %arg12[%get3A_40], %add3A_53 masked %unique3A_47 : memref<10016xi32, #tpu.memory_space<vmem>>[vector<16xi32>], vector<16xi32>, vector<16xi1>
      %lt3A = arith.constant 3 : i32
      %lt3A_54 = vector.broadcast %lt3A : i32 to vector<16xi32>
      %lt3A_55 = arith.cmpi slt, %add3A_50, %lt3A_54 : vector<16xi32>
      %lt3A_56 = arith.constant 10000 : i32
      %lt3A_57 = vector.broadcast %lt3A_56 : i32 to vector<16xi32>
      %lt3A_58 = arith.cmpi slt, %get3A_40, %lt3A_57 : vector<16xi32>
      %and3A = arith.andi %lt3A_55, %lt3A_58 : vector<16xi1>
      %min3A = arith.constant 2 : i32
      %min3A_59 = vector.broadcast %min3A : i32 to vector<16xi32>
      %min3A_60 = arith.minsi %add3A_50, %min3A_59 : vector<16xi32>
      %mul3A_61 = arith.constant 3 : i32
      %mul3A_62 = vector.broadcast %mul3A_61 : i32 to vector<16xi32>
      %mul3A_63 = arith.muli %min3A_60, %mul3A_62 : vector<16xi32>
      %mul3A_64 = arith.constant 16 : i32
      %mul3A_65 = arith.muli %add3A_37, %mul3A_64 : i32
      %get3A_66 = arith.index_cast %mul3A_65 : i32 to index
      %get3A_67 = tpu.vector_load %arg17[%get3A_66] {strides = array<i32>} : memref<2560xf32, #tpu.memory_space<vmem>>, vector<16xf32>,
      %mul3A_68 = arith.constant 16 : i32
      %mul3A_69 = arith.muli %add3A_37, %mul3A_68 : i32
      %get3A_70 = arith.index_cast %mul3A_69 : i32 to index
      %get3A_71 = tpu.vector_load %arg18[%get3A_70] {strides = array<i32>} : memref<2560xf32, #tpu.memory_space<vmem>>, vector<16xf32>,
      %gather3A_72 = tpu.vector_load_idx %arg13[%get3A_44] : memref<10000xf32, #tpu.memory_space<vmem>>[vector<16xi32>], vector<16xf32>,
      %gather3A_73 = tpu.vector_load_idx %arg14[%get3A_44] : memref<10000xf32, #tpu.memory_space<vmem>>[vector<16xi32>], vector<16xf32>,
      %add3A_74 = arith.constant 0 : i32
      %add3A_75 = vector.broadcast %add3A_74 : i32 to vector<16xi32>
      %add3A_76 = arith.addi %mul3A_63, %add3A_75 : vector<16xi32>
      %gather3A_77 = tpu.vector_load_idx %arg19[%add3A_76] : memref<16xf32, #tpu.memory_space<vmem>>[vector<16xi32>], vector<16xf32>,
      %add3A_78 = arith.constant 0 : i32
      %add3A_79 = vector.broadcast %add3A_78 : i32 to vector<16xi32>
      %add3A_80 = arith.addi %mul3A_63, %add3A_79 : vector<16xi32>
      %gather3A_81 = tpu.vector_load_idx %arg20[%add3A_80] : memref<16xf32, #tpu.memory_space<vmem>>[vector<16xi32>], vector<16xf32>,
      %add3A_82 = arith.constant 0 : i32
      %add3A_83 = vector.broadcast %add3A_82 : i32 to vector<16xi32>
      %add3A_84 = arith.addi %mul3A_63, %add3A_83 : vector<16xi32>
      %gather3A_85 = tpu.vector_load_idx %arg21[%add3A_84] : memref<16xf32, #tpu.memory_space<vmem>>[vector<16xi32>], vector<16xf32>,
      %add3A_86 = arith.constant 0 : i32
      %add3A_87 = vector.broadcast %add3A_86 : i32 to vector<16xi32>
      %add3A_88 = arith.addi %mul3A_63, %add3A_87 : vector<16xi32>
      %gather3A_89 = tpu.vector_load_idx %arg22[%add3A_88] : memref<16xf32, #tpu.memory_space<vmem>>[vector<16xi32>], vector<16xf32>,
      %mul3A_90 = arith.mulf %get3A_67, %gather3A_77 : vector<16xf32>
      %mul3A_91 = arith.mulf %get3A_71, %gather3A_81 : vector<16xf32>
      %add3A_92 = arith.addf %mul3A_90, %mul3A_91 : vector<16xf32>
      %mul3A_93 = arith.mulf %gather3A_72, %gather3A_85 : vector<16xf32>
      %add3A_94 = arith.addf %add3A_92, %mul3A_93 : vector<16xf32>
      %mul3A_95 = arith.mulf %gather3A_73, %gather3A_89 : vector<16xf32>
      %add3A_96 = arith.addf %add3A_94, %mul3A_95 : vector<16xf32>
      tpu.vector_store_idx %arg23[%min3A_60, %get3A_40], %add3A_96 masked %and3A : memref<3x10000xf32, #tpu.memory_space<vmem>>[vector<16xi32>, vector<16xi32>], vector<16xf32>, vector<16xi1>
      %add3A_97 = arith.constant 1 : i32
      %add3A_98 = vector.broadcast %add3A_97 : i32 to vector<16xi32>
      %add3A_99 = arith.addi %mul3A_63, %add3A_98 : vector<16xi32>
      %gather3A_100 = tpu.vector_load_idx %arg19[%add3A_99] : memref<16xf32, #tpu.memory_space<vmem>>[vector<16xi32>], vector<16xf32>,
      %add3A_101 = arith.constant 1 : i32
      %add3A_102 = vector.broadcast %add3A_101 : i32 to vector<16xi32>
      %add3A_103 = arith.addi %mul3A_63, %add3A_102 : vector<16xi32>
      %gather3A_104 = tpu.vector_load_idx %arg20[%add3A_103] : memref<16xf32, #tpu.memory_space<vmem>>[vector<16xi32>], vector<16xf32>,
      %add3A_105 = arith.constant 1 : i32
      %add3A_106 = vector.broadcast %add3A_105 : i32 to vector<16xi32>
      %add3A_107 = arith.addi %mul3A_63, %add3A_106 : vector<16xi32>
      %gather3A_108 = tpu.vector_load_idx %arg21[%add3A_107] : memref<16xf32, #tpu.memory_space<vmem>>[vector<16xi32>], vector<16xf32>,
      %add3A_109 = arith.constant 1 : i32
      %add3A_110 = vector.broadcast %add3A_109 : i32 to vector<16xi32>
      %add3A_111 = arith.addi %mul3A_63, %add3A_110 : vector<16xi32>
      %gather3A_112 = tpu.vector_load_idx %arg22[%add3A_111] : memref<16xf32, #tpu.memory_space<vmem>>[vector<16xi32>], vector<16xf32>,
      %mul3A_113 = arith.mulf %get3A_67, %gather3A_100 : vector<16xf32>
      %mul3A_114 = arith.mulf %get3A_71, %gather3A_104 : vector<16xf32>
      %add3A_115 = arith.addf %mul3A_113, %mul3A_114 : vector<16xf32>
      %mul3A_116 = arith.mulf %gather3A_72, %gather3A_108 : vector<16xf32>
      %add3A_117 = arith.addf %add3A_115, %mul3A_116 : vector<16xf32>
      %mul3A_118 = arith.mulf %gather3A_73, %gather3A_112 : vector<16xf32>
      %add3A_119 = arith.addf %add3A_117, %mul3A_118 : vector<16xf32>
      tpu.vector_store_idx %arg24[%min3A_60, %get3A_40], %add3A_119 masked %and3A : memref<3x10000xf32, #tpu.memory_space<vmem>>[vector<16xi32>, vector<16xi32>], vector<16xf32>, vector<16xi1>
      %add3A_120 = arith.constant 2 : i32
      %add3A_121 = vector.broadcast %add3A_120 : i32 to vector<16xi32>
      %add3A_122 = arith.addi %mul3A_63, %add3A_121 : vector<16xi32>
      %gather3A_123 = tpu.vector_load_idx %arg19[%add3A_122] : memref<16xf32, #tpu.memory_space<vmem>>[vector<16xi32>], vector<16xf32>,
      %add3A_124 = arith.constant 2 : i32
      %add3A_125 = vector.broadcast %add3A_124 : i32 to vector<16xi32>
      %add3A_126 = arith.addi %mul3A_63, %add3A_125 : vector<16xi32>
      %gather3A_127 = tpu.vector_load_idx %arg20[%add3A_126] : memref<16xf32, #tpu.memory_space<vmem>>[vector<16xi32>], vector<16xf32>,
      %add3A_128 = arith.constant 2 : i32
      %add3A_129 = vector.broadcast %add3A_128 : i32 to vector<16xi32>
      %add3A_130 = arith.addi %mul3A_63, %add3A_129 : vector<16xi32>
      %gather3A_131 = tpu.vector_load_idx %arg21[%add3A_130] : memref<16xf32, #tpu.memory_space<vmem>>[vector<16xi32>], vector<16xf32>,
      %add3A_132 = arith.constant 2 : i32
      %add3A_133 = vector.broadcast %add3A_132 : i32 to vector<16xi32>
      %add3A_134 = arith.addi %mul3A_63, %add3A_133 : vector<16xi32>
      %gather3A_135 = tpu.vector_load_idx %arg22[%add3A_134] : memref<16xf32, #tpu.memory_space<vmem>>[vector<16xi32>], vector<16xf32>,
      %mul3A_136 = arith.mulf %get3A_67, %gather3A_123 : vector<16xf32>
      %mul3A_137 = arith.mulf %get3A_71, %gather3A_127 : vector<16xf32>
      %add3A_138 = arith.addf %mul3A_136, %mul3A_137 : vector<16xf32>
      %mul3A_139 = arith.mulf %gather3A_72, %gather3A_131 : vector<16xf32>
      %add3A_140 = arith.addf %add3A_138, %mul3A_139 : vector<16xf32>
      %mul3A_141 = arith.mulf %gather3A_73, %gather3A_135 : vector<16xf32>
      %add3A_142 = arith.addf %add3A_140, %mul3A_141 : vector<16xf32>
      tpu.vector_store_idx %arg25[%min3A_60, %get3A_40], %add3A_142 masked %and3A : memref<3x10000xf32, #tpu.memory_space<vmem>>[vector<16xi32>, vector<16xi32>], vector<16xf32>, vector<16xi1>
    }
    %scan3A_22 = arith.constant 160 : i32
    %add3A_23 = arith.constant 2560 : i32
    %add3A_24 = arith.addi %mul3A_16, %add3A_23 : i32
    "tpu.region"() ({
      %run_scoped3A_33 = tpu.sem_alloc : memref<!tpu.dma_semaphore, #tpu.memory_space<semaphore_mem>>
      %dma_start3A = arith.constant 0 : i32
      %dma_start3A_34 = tpu.memref_slice %arg15[%dma_start3A] : memref<2560xi32, #tpu.memory_space<vmem>> -> memref<2448xi32, #tpu.memory_space<vmem>>
      %dma_start3A_35 = tpu.memref_slice %arg2[%add3A_24] : memref<160256xi32, #tpu.memory_space<hbm>> -> memref<2448xi32, #tpu.memory_space<hbm>>
      %dma_start3A_36 = arith.constant 0 : i32
      %dma_start3A_37 = tpu.memref_slice %arg15[%dma_start3A_36] : memref<2560xi32, #tpu.memory_space<vmem>> -> memref<2448xi32, #tpu.memory_space<vmem>>
      %dma_start3A_38 = tpu.memref_slice %arg2[%add3A_24] : memref<160256xi32, #tpu.memory_space<hbm>> -> memref<2448xi32, #tpu.memory_space<hbm>>
      tpu.enqueue_dma source(%dma_start3A_38 : memref<2448xi32, #tpu.memory_space<hbm>>) target(%dma_start3A_37 : memref<2448xi32, #tpu.memory_space<vmem>>) target_semaphore(%run_scoped3A_33 : memref<!tpu.dma_semaphore, #tpu.memory_space<semaphore_mem>>)
      %dma_wait3A = arith.constant 0 : i32
      %dma_wait3A_39 = tpu.memref_slice %arg15[%dma_wait3A] : memref<2560xi32, #tpu.memory_space<vmem>> -> memref<2448xi32, #tpu.memory_space<vmem>>
      %dma_wait3A_40 = tpu.memref_slice %arg2[%add3A_24] : memref<160256xi32, #tpu.memory_space<hbm>> -> memref<2448xi32, #tpu.memory_space<hbm>>
      %dma_wait3A_41 = arith.constant 0 : i32
      %dma_wait3A_42 = tpu.memref_slice %arg15[%dma_wait3A_41] : memref<2560xi32, #tpu.memory_space<vmem>> -> memref<2448xi32, #tpu.memory_space<vmem>>
      %dma_wait3A_43 = tpu.memref_slice %arg2[%add3A_24] : memref<160256xi32, #tpu.memory_space<hbm>> -> memref<2448xi32, #tpu.memory_space<hbm>>
      tpu.wait_dma2 semaphore(%run_scoped3A_33 : memref<!tpu.dma_semaphore, #tpu.memory_space<semaphore_mem>>) src(%dma_wait3A_43 : memref<2448xi32, #tpu.memory_space<hbm>>) dst(%dma_wait3A_42 : memref<2448xi32, #tpu.memory_space<vmem>>)
      tpu.yield
    }) : () -> ()
    "tpu.region"() ({
      %run_scoped3A_33 = tpu.sem_alloc : memref<!tpu.dma_semaphore, #tpu.memory_space<semaphore_mem>>
      %dma_start3A = arith.constant 0 : i32
      %dma_start3A_34 = tpu.memref_slice %arg16[%dma_start3A] : memref<2560xi32, #tpu.memory_space<vmem>> -> memref<2448xi32, #tpu.memory_space<vmem>>
      %dma_start3A_35 = tpu.memref_slice %arg3[%add3A_24] : memref<160256xi32, #tpu.memory_space<hbm>> -> memref<2448xi32, #tpu.memory_space<hbm>>
      %dma_start3A_36 = arith.constant 0 : i32
      %dma_start3A_37 = tpu.memref_slice %arg16[%dma_start3A_36] : memref<2560xi32, #tpu.memory_space<vmem>> -> memref<2448xi32, #tpu.memory_space<vmem>>
      %dma_start3A_38 = tpu.memref_slice %arg3[%add3A_24] : memref<160256xi32, #tpu.memory_space<hbm>> -> memref<2448xi32, #tpu.memory_space<hbm>>
      tpu.enqueue_dma source(%dma_start3A_38 : memref<2448xi32, #tpu.memory_space<hbm>>) target(%dma_start3A_37 : memref<2448xi32, #tpu.memory_space<vmem>>) target_semaphore(%run_scoped3A_33 : memref<!tpu.dma_semaphore, #tpu.memory_space<semaphore_mem>>)
      %dma_wait3A = arith.constant 0 : i32
      %dma_wait3A_39 = tpu.memref_slice %arg16[%dma_wait3A] : memref<2560xi32, #tpu.memory_space<vmem>> -> memref<2448xi32, #tpu.memory_space<vmem>>
      %dma_wait3A_40 = tpu.memref_slice %arg3[%add3A_24] : memref<160256xi32, #tpu.memory_space<hbm>> -> memref<2448xi32, #tpu.memory_space<hbm>>
      %dma_wait3A_41 = arith.constant 0 : i32
      %dma_wait3A_42 = tpu.memref_slice %arg16[%dma_wait3A_41] : memref<2560xi32, #tpu.memory_space<vmem>> -> memref<2448xi32, #tpu.memory_space<vmem>>
      %dma_wait3A_43 = tpu.memref_slice %arg3[%add3A_24] : memref<160256xi32, #tpu.memory_space<hbm>> -> memref<2448xi32, #tpu.memory_space<hbm>>
      tpu.wait_dma2 semaphore(%run_scoped3A_33 : memref<!tpu.dma_semaphore, #tpu.memory_space<semaphore_mem>>) src(%dma_wait3A_43 : memref<2448xi32, #tpu.memory_space<hbm>>) dst(%dma_wait3A_42 : memref<2448xi32, #tpu.memory_space<vmem>>)
      tpu.yield
    }) : () -> ()
    "tpu.region"() ({
      %run_scoped3A_33 = tpu.sem_alloc : memref<!tpu.dma_semaphore, #tpu.memory_space<semaphore_mem>>
      %dma_start3A = arith.constant 0 : i32
      %dma_start3A_34 = tpu.memref_slice %arg17[%dma_start3A] : memref<2560xf32, #tpu.memory_space<vmem>> -> memref<2448xf32, #tpu.memory_space<vmem>>
      %dma_start3A_35 = tpu.memref_slice %arg4[%add3A_24] : memref<160256xf32, #tpu.memory_space<hbm>> -> memref<2448xf32, #tpu.memory_space<hbm>>
      %dma_start3A_36 = arith.constant 0 : i32
      %dma_start3A_37 = tpu.memref_slice %arg17[%dma_start3A_36] : memref<2560xf32, #tpu.memory_space<vmem>> -> memref<2448xf32, #tpu.memory_space<vmem>>
      %dma_start3A_38 = tpu.memref_slice %arg4[%add3A_24] : memref<160256xf32, #tpu.memory_space<hbm>> -> memref<2448xf32, #tpu.memory_space<hbm>>
      tpu.enqueue_dma source(%dma_start3A_38 : memref<2448xf32, #tpu.memory_space<hbm>>) target(%dma_start3A_37 : memref<2448xf32, #tpu.memory_space<vmem>>) target_semaphore(%run_scoped3A_33 : memref<!tpu.dma_semaphore, #tpu.memory_space<semaphore_mem>>)
      %dma_wait3A = arith.constant 0 : i32
      %dma_wait3A_39 = tpu.memref_slice %arg17[%dma_wait3A] : memref<2560xf32, #tpu.memory_space<vmem>> -> memref<2448xf32, #tpu.memory_space<vmem>>
      %dma_wait3A_40 = tpu.memref_slice %arg4[%add3A_24] : memref<160256xf32, #tpu.memory_space<hbm>> -> memref<2448xf32, #tpu.memory_space<hbm>>
      %dma_wait3A_41 = arith.constant 0 : i32
      %dma_wait3A_42 = tpu.memref_slice %arg17[%dma_wait3A_41] : memref<2560xf32, #tpu.memory_space<vmem>> -> memref<2448xf32, #tpu.memory_space<vmem>>
      %dma_wait3A_43 = tpu.memref_slice %arg4[%add3A_24] : memref<160256xf32, #tpu.memory_space<hbm>> -> memref<2448xf32, #tpu.memory_space<hbm>>
      tpu.wait_dma2 semaphore(%run_scoped3A_33 : memref<!tpu.dma_semaphore, #tpu.memory_space<semaphore_mem>>) src(%dma_wait3A_43 : memref<2448xf32, #tpu.memory_space<hbm>>) dst(%dma_wait3A_42 : memref<2448xf32, #tpu.memory_space<vmem>>)
      tpu.yield
    }) : () -> ()
    "tpu.region"() ({
      %run_scoped3A_33 = tpu.sem_alloc : memref<!tpu.dma_semaphore, #tpu.memory_space<semaphore_mem>>
      %dma_start3A = arith.constant 0 : i32
      %dma_start3A_34 = tpu.memref_slice %arg18[%dma_start3A] : memref<2560xf32, #tpu.memory_space<vmem>> -> memref<2448xf32, #tpu.memory_space<vmem>>
      %dma_start3A_35 = tpu.memref_slice %arg5[%add3A_24] : memref<160256xf32, #tpu.memory_space<hbm>> -> memref<2448xf32, #tpu.memory_space<hbm>>
      %dma_start3A_36 = arith.constant 0 : i32
      %dma_start3A_37 = tpu.memref_slice %arg18[%dma_start3A_36] : memref<2560xf32, #tpu.memory_space<vmem>> -> memref<2448xf32, #tpu.memory_space<vmem>>
      %dma_start3A_38 = tpu.memref_slice %arg5[%add3A_24] : memref<160256xf32, #tpu.memory_space<hbm>> -> memref<2448xf32, #tpu.memory_space<hbm>>
      tpu.enqueue_dma source(%dma_start3A_38 : memref<2448xf32, #tpu.memory_space<hbm>>) target(%dma_start3A_37 : memref<2448xf32, #tpu.memory_space<vmem>>) target_semaphore(%run_scoped3A_33 : memref<!tpu.dma_semaphore, #tpu.memory_space<semaphore_mem>>)
      %dma_wait3A = arith.constant 0 : i32
      %dma_wait3A_39 = tpu.memref_slice %arg18[%dma_wait3A] : memref<2560xf32, #tpu.memory_space<vmem>> -> memref<2448xf32, #tpu.memory_space<vmem>>
      %dma_wait3A_40 = tpu.memref_slice %arg5[%add3A_24] : memref<160256xf32, #tpu.memory_space<hbm>> -> memref<2448xf32, #tpu.memory_space<hbm>>
      %dma_wait3A_41 = arith.constant 0 : i32
      %dma_wait3A_42 = tpu.memref_slice %arg18[%dma_wait3A_41] : memref<2560xf32, #tpu.memory_space<vmem>> -> memref<2448xf32, #tpu.memory_space<vmem>>
      %dma_wait3A_43 = tpu.memref_slice %arg5[%add3A_24] : memref<160256xf32, #tpu.memory_space<hbm>> -> memref<2448xf32, #tpu.memory_space<hbm>>
      tpu.wait_dma2 semaphore(%run_scoped3A_33 : memref<!tpu.dma_semaphore, #tpu.memory_space<semaphore_mem>>) src(%dma_wait3A_43 : memref<2448xf32, #tpu.memory_space<hbm>>) dst(%dma_wait3A_42 : memref<2448xf32, #tpu.memory_space<vmem>>)
      tpu.yield
    }) : () -> ()
    %scan3A_25 = arith.constant 0 : i32
    %scan3A_26 = arith.constant 153 : i32
    %scan3A_27 = arith.addi %scan3A_25, %scan3A_26 : i32
    %scan3A_28 = arith.constant 1 : i32
    scf.for %scan3A_33 = %scan3A_25 to %scan3A_27 step %scan3A_28  : i32 {
      %mul3A_34 = arith.constant 1 : i32
      %mul3A_35 = arith.muli %scan3A_33, %mul3A_34 : i32
      %add3A_36 = arith.constant 0 : i32
      %add3A_37 = arith.addi %add3A_36, %mul3A_35 : i32
      %mul3A_38 = arith.constant 16 : i32
      %mul3A_39 = arith.muli %add3A_37, %mul3A_38 : i32
      %get3A = arith.index_cast %mul3A_39 : i32 to index
      %get3A_40 = tpu.vector_load %arg15[%get3A] {strides = array<i32>} : memref<2560xi32, #tpu.memory_space<vmem>>, vector<16xi32>,
      %mul3A_41 = arith.constant 16 : i32
      %mul3A_42 = arith.muli %add3A_37, %mul3A_41 : i32
      %get3A_43 = arith.index_cast %mul3A_42 : i32 to index
      %get3A_44 = tpu.vector_load %arg16[%get3A_43] {strides = array<i32>} : memref<2560xi32, #tpu.memory_space<vmem>>, vector<16xi32>,
      %broadcast_in_dim3A_45 = arith.constant true
      %broadcast_in_dim3A_46 = vector.broadcast %broadcast_in_dim3A_45 : i1 to vector<16xi1>
      %unique3A_47, %unique3A_48 = tpu.scan_count mask(%broadcast_in_dim3A_46 : vector<16xi1>) value(%get3A_40 : vector<16xi32>) : vector<16xi1>, vector<16xi32>
      %sub3A = vector.broadcast %reduce_min3A_14 : i32 to vector<16xi32>
      %sub3A_49 = arith.subi %unique3A_48, %sub3A : vector<16xi32>
      %gather3A = tpu.vector_load_idx %arg12[%get3A_40] : memref<10016xi32, #tpu.memory_space<vmem>>[vector<16xi32>], vector<16xi32>,
      %add3A_50 = arith.addi %gather3A, %sub3A_49 : vector<16xi32>
      %add3A_51 = arith.constant 1 : i32
      %add3A_52 = vector.broadcast %add3A_51 : i32 to vector<16xi32>
      %add3A_53 = arith.addi %add3A_50, %add3A_52 : vector<16xi32>
      tpu.vector_store_idx %arg12[%get3A_40], %add3A_53 masked %unique3A_47 : memref<10016xi32, #tpu.memory_space<vmem>>[vector<16xi32>], vector<16xi32>, vector<16xi1>
      %lt3A = arith.constant 3 : i32
      %lt3A_54 = vector.broadcast %lt3A : i32 to vector<16xi32>
      %lt3A_55 = arith.cmpi slt, %add3A_50, %lt3A_54 : vector<16xi32>
      %lt3A_56 = arith.constant 10000 : i32
      %lt3A_57 = vector.broadcast %lt3A_56 : i32 to vector<16xi32>
      %lt3A_58 = arith.cmpi slt, %get3A_40, %lt3A_57 : vector<16xi32>
      %and3A = arith.andi %lt3A_55, %lt3A_58 : vector<16xi1>
      %min3A = arith.constant 2 : i32
      %min3A_59 = vector.broadcast %min3A : i32 to vector<16xi32>
      %min3A_60 = arith.minsi %add3A_50, %min3A_59 : vector<16xi32>
      %mul3A_61 = arith.constant 3 : i32
      %mul3A_62 = vector.broadcast %mul3A_61 : i32 to vector<16xi32>
      %mul3A_63 = arith.muli %min3A_60, %mul3A_62 : vector<16xi32>
      %mul3A_64 = arith.constant 16 : i32
      %mul3A_65 = arith.muli %add3A_37, %mul3A_64 : i32
      %get3A_66 = arith.index_cast %mul3A_65 : i32 to index
      %get3A_67 = tpu.vector_load %arg17[%get3A_66] {strides = array<i32>} : memref<2560xf32, #tpu.memory_space<vmem>>, vector<16xf32>,
      %mul3A_68 = arith.constant 16 : i32
      %mul3A_69 = arith.muli %add3A_37, %mul3A_68 : i32
      %get3A_70 = arith.index_cast %mul3A_69 : i32 to index
      %get3A_71 = tpu.vector_load %arg18[%get3A_70] {strides = array<i32>} : memref<2560xf32, #tpu.memory_space<vmem>>, vector<16xf32>,
      %gather3A_72 = tpu.vector_load_idx %arg13[%get3A_44] : memref<10000xf32, #tpu.memory_space<vmem>>[vector<16xi32>], vector<16xf32>,
      %gather3A_73 = tpu.vector_load_idx %arg14[%get3A_44] : memref<10000xf32, #tpu.memory_space<vmem>>[vector<16xi32>], vector<16xf32>,
      %add3A_74 = arith.constant 0 : i32
      %add3A_75 = vector.broadcast %add3A_74 : i32 to vector<16xi32>
      %add3A_76 = arith.addi %mul3A_63, %add3A_75 : vector<16xi32>
      %gather3A_77 = tpu.vector_load_idx %arg19[%add3A_76] : memref<16xf32, #tpu.memory_space<vmem>>[vector<16xi32>], vector<16xf32>,
      %add3A_78 = arith.constant 0 : i32
      %add3A_79 = vector.broadcast %add3A_78 : i32 to vector<16xi32>
      %add3A_80 = arith.addi %mul3A_63, %add3A_79 : vector<16xi32>
      %gather3A_81 = tpu.vector_load_idx %arg20[%add3A_80] : memref<16xf32, #tpu.memory_space<vmem>>[vector<16xi32>], vector<16xf32>,
      %add3A_82 = arith.constant 0 : i32
      %add3A_83 = vector.broadcast %add3A_82 : i32 to vector<16xi32>
      %add3A_84 = arith.addi %mul3A_63, %add3A_83 : vector<16xi32>
      %gather3A_85 = tpu.vector_load_idx %arg21[%add3A_84] : memref<16xf32, #tpu.memory_space<vmem>>[vector<16xi32>], vector<16xf32>,
      %add3A_86 = arith.constant 0 : i32
      %add3A_87 = vector.broadcast %add3A_86 : i32 to vector<16xi32>
      %add3A_88 = arith.addi %mul3A_63, %add3A_87 : vector<16xi32>
      %gather3A_89 = tpu.vector_load_idx %arg22[%add3A_88] : memref<16xf32, #tpu.memory_space<vmem>>[vector<16xi32>], vector<16xf32>,
      %mul3A_90 = arith.mulf %get3A_67, %gather3A_77 : vector<16xf32>
      %mul3A_91 = arith.mulf %get3A_71, %gather3A_81 : vector<16xf32>
      %add3A_92 = arith.addf %mul3A_90, %mul3A_91 : vector<16xf32>
      %mul3A_93 = arith.mulf %gather3A_72, %gather3A_85 : vector<16xf32>
      %add3A_94 = arith.addf %add3A_92, %mul3A_93 : vector<16xf32>
      %mul3A_95 = arith.mulf %gather3A_73, %gather3A_89 : vector<16xf32>
      %add3A_96 = arith.addf %add3A_94, %mul3A_95 : vector<16xf32>
      tpu.vector_store_idx %arg23[%min3A_60, %get3A_40], %add3A_96 masked %and3A : memref<3x10000xf32, #tpu.memory_space<vmem>>[vector<16xi32>, vector<16xi32>], vector<16xf32>, vector<16xi1>
      %add3A_97 = arith.constant 1 : i32
      %add3A_98 = vector.broadcast %add3A_97 : i32 to vector<16xi32>
      %add3A_99 = arith.addi %mul3A_63, %add3A_98 : vector<16xi32>
      %gather3A_100 = tpu.vector_load_idx %arg19[%add3A_99] : memref<16xf32, #tpu.memory_space<vmem>>[vector<16xi32>], vector<16xf32>,
      %add3A_101 = arith.constant 1 : i32
      %add3A_102 = vector.broadcast %add3A_101 : i32 to vector<16xi32>
      %add3A_103 = arith.addi %mul3A_63, %add3A_102 : vector<16xi32>
      %gather3A_104 = tpu.vector_load_idx %arg20[%add3A_103] : memref<16xf32, #tpu.memory_space<vmem>>[vector<16xi32>], vector<16xf32>,
      %add3A_105 = arith.constant 1 : i32
      %add3A_106 = vector.broadcast %add3A_105 : i32 to vector<16xi32>
      %add3A_107 = arith.addi %mul3A_63, %add3A_106 : vector<16xi32>
      %gather3A_108 = tpu.vector_load_idx %arg21[%add3A_107] : memref<16xf32, #tpu.memory_space<vmem>>[vector<16xi32>], vector<16xf32>,
      %add3A_109 = arith.constant 1 : i32
      %add3A_110 = vector.broadcast %add3A_109 : i32 to vector<16xi32>
      %add3A_111 = arith.addi %mul3A_63, %add3A_110 : vector<16xi32>
      %gather3A_112 = tpu.vector_load_idx %arg22[%add3A_111] : memref<16xf32, #tpu.memory_space<vmem>>[vector<16xi32>], vector<16xf32>,
      %mul3A_113 = arith.mulf %get3A_67, %gather3A_100 : vector<16xf32>
      %mul3A_114 = arith.mulf %get3A_71, %gather3A_104 : vector<16xf32>
      %add3A_115 = arith.addf %mul3A_113, %mul3A_114 : vector<16xf32>
      %mul3A_116 = arith.mulf %gather3A_72, %gather3A_108 : vector<16xf32>
      %add3A_117 = arith.addf %add3A_115, %mul3A_116 : vector<16xf32>
      %mul3A_118 = arith.mulf %gather3A_73, %gather3A_112 : vector<16xf32>
      %add3A_119 = arith.addf %add3A_117, %mul3A_118 : vector<16xf32>
      tpu.vector_store_idx %arg24[%min3A_60, %get3A_40], %add3A_119 masked %and3A : memref<3x10000xf32, #tpu.memory_space<vmem>>[vector<16xi32>, vector<16xi32>], vector<16xf32>, vector<16xi1>
      %add3A_120 = arith.constant 2 : i32
      %add3A_121 = vector.broadcast %add3A_120 : i32 to vector<16xi32>
      %add3A_122 = arith.addi %mul3A_63, %add3A_121 : vector<16xi32>
      %gather3A_123 = tpu.vector_load_idx %arg19[%add3A_122] : memref<16xf32, #tpu.memory_space<vmem>>[vector<16xi32>], vector<16xf32>,
      %add3A_124 = arith.constant 2 : i32
      %add3A_125 = vector.broadcast %add3A_124 : i32 to vector<16xi32>
      %add3A_126 = arith.addi %mul3A_63, %add3A_125 : vector<16xi32>
      %gather3A_127 = tpu.vector_load_idx %arg20[%add3A_126] : memref<16xf32, #tpu.memory_space<vmem>>[vector<16xi32>], vector<16xf32>,
      %add3A_128 = arith.constant 2 : i32
      %add3A_129 = vector.broadcast %add3A_128 : i32 to vector<16xi32>
      %add3A_130 = arith.addi %mul3A_63, %add3A_129 : vector<16xi32>
      %gather3A_131 = tpu.vector_load_idx %arg21[%add3A_130] : memref<16xf32, #tpu.memory_space<vmem>>[vector<16xi32>], vector<16xf32>,
      %add3A_132 = arith.constant 2 : i32
      %add3A_133 = vector.broadcast %add3A_132 : i32 to vector<16xi32>
      %add3A_134 = arith.addi %mul3A_63, %add3A_133 : vector<16xi32>
      %gather3A_135 = tpu.vector_load_idx %arg22[%add3A_134] : memref<16xf32, #tpu.memory_space<vmem>>[vector<16xi32>], vector<16xf32>,
      %mul3A_136 = arith.mulf %get3A_67, %gather3A_123 : vector<16xf32>
      %mul3A_137 = arith.mulf %get3A_71, %gather3A_127 : vector<16xf32>
      %add3A_138 = arith.addf %mul3A_136, %mul3A_137 : vector<16xf32>
      %mul3A_139 = arith.mulf %gather3A_72, %gather3A_131 : vector<16xf32>
      %add3A_140 = arith.addf %add3A_138, %mul3A_139 : vector<16xf32>
      %mul3A_141 = arith.mulf %gather3A_73, %gather3A_135 : vector<16xf32>
      %add3A_142 = arith.addf %add3A_140, %mul3A_141 : vector<16xf32>
      tpu.vector_store_idx %arg25[%min3A_60, %get3A_40], %add3A_142 masked %and3A : memref<3x10000xf32, #tpu.memory_space<vmem>>[vector<16xi32>, vector<16xi32>], vector<16xf32>, vector<16xi1>
    }
    %scan3A_29 = arith.constant 153 : i32
    %run_scoped3A_30 = arith.constant 0 : i32
    "tpu.region"() ({
      %run_scoped3A_33 = tpu.sem_alloc : memref<!tpu.dma_semaphore, #tpu.memory_space<semaphore_mem>>
      %dma_start3A = arith.constant 0 : i32
      %dma_start3A_34 = arith.constant 0 : i32
      %dma_start3A_35 = tpu.memref_slice %arg11[%add3A, %run_scoped3A_30, %dma_start3A, %dma_start3A_34] : memref<32x3x3x10000xf32, #tpu.memory_space<hbm>> -> memref<1x1x3x10000xf32, #tpu.memory_space<hbm>>
      %dma_start3A_36 = tpu.memref_squeeze %dma_start3A_35 : memref<1x1x3x10000xf32, #tpu.memory_space<hbm>> -> memref<3x10000xf32, #tpu.memory_space<hbm>>
      %dma_start3A_37 = arith.constant 0 : i32
      %dma_start3A_38 = arith.constant 0 : i32
      %dma_start3A_39 = tpu.memref_slice %arg11[%add3A, %run_scoped3A_30, %dma_start3A_37, %dma_start3A_38] : memref<32x3x3x10000xf32, #tpu.memory_space<hbm>> -> memref<1x1x3x10000xf32, #tpu.memory_space<hbm>>
      %dma_start3A_40 = tpu.memref_squeeze %dma_start3A_39 : memref<1x1x3x10000xf32, #tpu.memory_space<hbm>> -> memref<3x10000xf32, #tpu.memory_space<hbm>>
      tpu.enqueue_dma source(%arg23 : memref<3x10000xf32, #tpu.memory_space<vmem>>) target(%dma_start3A_40 : memref<3x10000xf32, #tpu.memory_space<hbm>>) target_semaphore(%run_scoped3A_33 : memref<!tpu.dma_semaphore, #tpu.memory_space<semaphore_mem>>)
      %dma_wait3A = arith.constant 0 : i32
      %dma_wait3A_41 = arith.constant 0 : i32
      %dma_wait3A_42 = tpu.memref_slice %arg11[%add3A, %run_scoped3A_30, %dma_wait3A, %dma_wait3A_41] : memref<32x3x3x10000xf32, #tpu.memory_space<hbm>> -> memref<1x1x3x10000xf32, #tpu.memory_space<hbm>>
      %dma_wait3A_43 = tpu.memref_squeeze %dma_wait3A_42 : memref<1x1x3x10000xf32, #tpu.memory_space<hbm>> -> memref<3x10000xf32, #tpu.memory_space<hbm>>
      %dma_wait3A_44 = arith.constant 0 : i32
      %dma_wait3A_45 = arith.constant 0 : i32
      %dma_wait3A_46 = tpu.memref_slice %arg11[%add3A, %run_scoped3A_30, %dma_wait3A_44, %dma_wait3A_45] : memref<32x3x3x10000xf32, #tpu.memory_space<hbm>> -> memref<1x1x3x10000xf32, #tpu.memory_space<hbm>>
      %dma_wait3A_47 = tpu.memref_squeeze %dma_wait3A_46 : memref<1x1x3x10000xf32, #tpu.memory_space<hbm>> -> memref<3x10000xf32, #tpu.memory_space<hbm>>
      tpu.wait_dma2 semaphore(%run_scoped3A_33 : memref<!tpu.dma_semaphore, #tpu.memory_space<semaphore_mem>>) src(%arg23 : memref<3x10000xf32, #tpu.memory_space<vmem>>) dst(%dma_wait3A_47 : memref<3x10000xf32, #tpu.memory_space<hbm>>)
      tpu.yield
    }) : () -> ()
    %run_scoped3A_31 = arith.constant 1 : i32
    "tpu.region"() ({
      %run_scoped3A_33 = tpu.sem_alloc : memref<!tpu.dma_semaphore, #tpu.memory_space<semaphore_mem>>
      %dma_start3A = arith.constant 0 : i32
      %dma_start3A_34 = arith.constant 0 : i32
      %dma_start3A_35 = tpu.memref_slice %arg11[%add3A, %run_scoped3A_31, %dma_start3A, %dma_start3A_34] : memref<32x3x3x10000xf32, #tpu.memory_space<hbm>> -> memref<1x1x3x10000xf32, #tpu.memory_space<hbm>>
      %dma_start3A_36 = tpu.memref_squeeze %dma_start3A_35 : memref<1x1x3x10000xf32, #tpu.memory_space<hbm>> -> memref<3x10000xf32, #tpu.memory_space<hbm>>
      %dma_start3A_37 = arith.constant 0 : i32
      %dma_start3A_38 = arith.constant 0 : i32
      %dma_start3A_39 = tpu.memref_slice %arg11[%add3A, %run_scoped3A_31, %dma_start3A_37, %dma_start3A_38] : memref<32x3x3x10000xf32, #tpu.memory_space<hbm>> -> memref<1x1x3x10000xf32, #tpu.memory_space<hbm>>
      %dma_start3A_40 = tpu.memref_squeeze %dma_start3A_39 : memref<1x1x3x10000xf32, #tpu.memory_space<hbm>> -> memref<3x10000xf32, #tpu.memory_space<hbm>>
      tpu.enqueue_dma source(%arg24 : memref<3x10000xf32, #tpu.memory_space<vmem>>) target(%dma_start3A_40 : memref<3x10000xf32, #tpu.memory_space<hbm>>) target_semaphore(%run_scoped3A_33 : memref<!tpu.dma_semaphore, #tpu.memory_space<semaphore_mem>>)
      %dma_wait3A = arith.constant 0 : i32
      %dma_wait3A_41 = arith.constant 0 : i32
      %dma_wait3A_42 = tpu.memref_slice %arg11[%add3A, %run_scoped3A_31, %dma_wait3A, %dma_wait3A_41] : memref<32x3x3x10000xf32, #tpu.memory_space<hbm>> -> memref<1x1x3x10000xf32, #tpu.memory_space<hbm>>
      %dma_wait3A_43 = tpu.memref_squeeze %dma_wait3A_42 : memref<1x1x3x10000xf32, #tpu.memory_space<hbm>> -> memref<3x10000xf32, #tpu.memory_space<hbm>>
      %dma_wait3A_44 = arith.constant 0 : i32
      %dma_wait3A_45 = arith.constant 0 : i32
      %dma_wait3A_46 = tpu.memref_slice %arg11[%add3A, %run_scoped3A_31, %dma_wait3A_44, %dma_wait3A_45] : memref<32x3x3x10000xf32, #tpu.memory_space<hbm>> -> memref<1x1x3x10000xf32, #tpu.memory_space<hbm>>
      %dma_wait3A_47 = tpu.memref_squeeze %dma_wait3A_46 : memref<1x1x3x10000xf32, #tpu.memory_space<hbm>> -> memref<3x10000xf32, #tpu.memory_space<hbm>>
      tpu.wait_dma2 semaphore(%run_scoped3A_33 : memref<!tpu.dma_semaphore, #tpu.memory_space<semaphore_mem>>) src(%arg24 : memref<3x10000xf32, #tpu.memory_space<vmem>>) dst(%dma_wait3A_47 : memref<3x10000xf32, #tpu.memory_space<hbm>>)
      tpu.yield
    }) : () -> ()
    %run_scoped3A_32 = arith.constant 2 : i32
    "tpu.region"() ({
      %run_scoped3A_33 = tpu.sem_alloc : memref<!tpu.dma_semaphore, #tpu.memory_space<semaphore_mem>>
      %dma_start3A = arith.constant 0 : i32
      %dma_start3A_34 = arith.constant 0 : i32
      %dma_start3A_35 = tpu.memref_slice %arg11[%add3A, %run_scoped3A_32, %dma_start3A, %dma_start3A_34] : memref<32x3x3x10000xf32, #tpu.memory_space<hbm>> -> memref<1x1x3x10000xf32, #tpu.memory_space<hbm>>
      %dma_start3A_36 = tpu.memref_squeeze %dma_start3A_35 : memref<1x1x3x10000xf32, #tpu.memory_space<hbm>> -> memref<3x10000xf32, #tpu.memory_space<hbm>>
      %dma_start3A_37 = arith.constant 0 : i32
      %dma_start3A_38 = arith.constant 0 : i32
      %dma_start3A_39 = tpu.memref_slice %arg11[%add3A, %run_scoped3A_32, %dma_start3A_37, %dma_start3A_38] : memref<32x3x3x10000xf32, #tpu.memory_space<hbm>> -> memref<1x1x3x10000xf32, #tpu.memory_space<hbm>>
      %dma_start3A_40 = tpu.memref_squeeze %dma_start3A_39 : memref<1x1x3x10000xf32, #tpu.memory_space<hbm>> -> memref<3x10000xf32, #tpu.memory_space<hbm>>
      tpu.enqueue_dma source(%arg25 : memref<3x10000xf32, #tpu.memory_space<vmem>>) target(%dma_start3A_40 : memref<3x10000xf32, #tpu.memory_space<hbm>>) target_semaphore(%run_scoped3A_33 : memref<!tpu.dma_semaphore, #tpu.memory_space<semaphore_mem>>)
      %dma_wait3A = arith.constant 0 : i32
      %dma_wait3A_41 = arith.constant 0 : i32
      %dma_wait3A_42 = tpu.memref_slice %arg11[%add3A, %run_scoped3A_32, %dma_wait3A, %dma_wait3A_41] : memref<32x3x3x10000xf32, #tpu.memory_space<hbm>> -> memref<1x1x3x10000xf32, #tpu.memory_space<hbm>>
      %dma_wait3A_43 = tpu.memref_squeeze %dma_wait3A_42 : memref<1x1x3x10000xf32, #tpu.memory_space<hbm>> -> memref<3x10000xf32, #tpu.memory_space<hbm>>
      %dma_wait3A_44 = arith.constant 0 : i32
      %dma_wait3A_45 = arith.constant 0 : i32
      %dma_wait3A_46 = tpu.memref_slice %arg11[%add3A, %run_scoped3A_32, %dma_wait3A_44, %dma_wait3A_45] : memref<32x3x3x10000xf32, #tpu.memory_space<hbm>> -> memref<1x1x3x10000xf32, #tpu.memory_space<hbm>>
      %dma_wait3A_47 = tpu.memref_squeeze %dma_wait3A_46 : memref<1x1x3x10000xf32, #tpu.memory_space<hbm>> -> memref<3x10000xf32, #tpu.memory_space<hbm>>
      tpu.wait_dma2 semaphore(%run_scoped3A_33 : memref<!tpu.dma_semaphore, #tpu.memory_space<semaphore_mem>>) src(%arg25 : memref<3x10000xf32, #tpu.memory_space<vmem>>) dst(%dma_wait3A_47 : memref<3x10000xf32, #tpu.memory_space<hbm>>)
      tpu.yield
    }) : () -> ()
    return
  }
}

module attributes {stable_mosaic.version = 14 : i64} {
  func.func @_front_body(%arg0: i32, %arg1: i32, %arg2: memref<10000x128xf32, #tpu.memory_space<vmem>>, %arg3: memref<16x16000xf32, #tpu.memory_space<vmem>>, %arg4: memref<128x128xf32, #tpu.memory_space<vmem>>, %arg5: memref<128x2xf32, #tpu.memory_space<vmem>>, %arg6: memref<2x1xf32, #tpu.memory_space<vmem>>, %arg7: memref<16x128xf32, #tpu.memory_space<vmem>>, %arg8: memref<128x2xf32, #tpu.memory_space<vmem>>, %arg9: memref<2x1xf32, #tpu.memory_space<vmem>>, %arg10: memref<2x10000xf32, #tpu.memory_space<vmem>>, %arg11: memref<2x16000xf32, #tpu.memory_space<vmem>>, %arg12: memref<128x2xf32, #tpu.memory_space<vmem>>) attributes {dimension_semantics = [#tpu.dimension_semantics<arbitrary>, #tpu.dimension_semantics<arbitrary>], iteration_bounds = array<i64: 2, 10>, scalar_prefetch = 0 : i64, scratch_operands = 1 : i64, tpu.core_type = #tpu.core_type<tc>, window_params = [{pipeline_mode = #tpu.pipeline_mode<synchronous>, transform_indices = @transform_0, window_bounds = array<i64: 10000, 128>}, {transform_indices = @transform_1, window_bounds = array<i64: 16, 16000>}, {pipeline_mode = #tpu.pipeline_mode<synchronous>, transform_indices = @transform_2, window_bounds = array<i64: 128, 128>}, {pipeline_mode = #tpu.pipeline_mode<synchronous>, transform_indices = @transform_3, window_bounds = array<i64: 128, 2>}, {pipeline_mode = #tpu.pipeline_mode<synchronous>, transform_indices = @transform_4, window_bounds = array<i64: 2, 1>}, {pipeline_mode = #tpu.pipeline_mode<synchronous>, transform_indices = @transform_5, window_bounds = array<i64: 16, 128>}, {pipeline_mode = #tpu.pipeline_mode<synchronous>, transform_indices = @transform_6, window_bounds = array<i64: 128, 2>}, {pipeline_mode = #tpu.pipeline_mode<synchronous>, transform_indices = @transform_7, window_bounds = array<i64: 2, 1>}, {pipeline_mode = #tpu.pipeline_mode<synchronous>, transform_indices = @transform_8, window_bounds = array<i64: 2, 10000>}, {transform_indices = @transform_9, window_bounds = array<i64: 2, 16000>}]} {
    %eq3A = arith.constant 0 : i32
    %eq3A_0 = arith.cmpi eq, %arg0, %eq3A : i32
    %eq3A_1 = arith.constant 0 : i32
    %eq3A_2 = arith.cmpi eq, %arg1, %eq3A_1 : i32
    %and3A = arith.andi %eq3A_0, %eq3A_2 : i1
    %convert_element_type3A = arith.extui %and3A : i1 to i32
    %cond3A = arith.constant 0 : i32
    %cond3A_3 = arith.cmpi ne, %convert_element_type3A, %cond3A : i32
    scf.if %cond3A_3 {
      %broadcast_in_dim3A = arith.constant 0.000000e+00 : f32
      %broadcast_in_dim3A_20 = vector.broadcast %broadcast_in_dim3A : f32 to vector<128x2xf32>
      %swap3A = arith.constant 0 : index
      %swap3A_21 = arith.constant 0 : index
      %swap3A_22 = vector.load %arg12[%swap3A, %swap3A_21] : memref<128x2xf32, #tpu.memory_space<vmem>>, vector<128x2xf32>
      tpu.vector_store %arg12[%swap3A, %swap3A_21], %broadcast_in_dim3A_20 {strides = array<i32>} : memref<128x2xf32, #tpu.memory_space<vmem>>, vector<128x2xf32>,
      %get3A_23 = arith.constant 0 : index
      %get3A_24 = arith.constant 0 : index
      %get3A_25 = vector.load %arg2[%get3A_23, %get3A_24] : memref<10000x128xf32, #tpu.memory_space<vmem>>, vector<10000x128xf32>
      %get3A_26 = arith.constant 0 : index
      %get3A_27 = arith.constant 0 : index
      %get3A_28 = vector.load %arg4[%get3A_26, %get3A_27] : memref<128x128xf32, #tpu.memory_space<vmem>>, vector<128x128xf32>
      %dot_general3A_29 = arith.constant dense<0.000000e+00> : vector<10000x128xf32>
      %dot_general3A_30 = tpu.matmul %get3A_25, %get3A_28, %dot_general3A_29 {dimension_numbers = #tpu.dot_dimension_numbers<[1], [0], [0], [1], [0, 0, 1, 1], [], []>, transpose_lhs_hint = false} : vector<10000x128xf32>, vector<128x128xf32>, vector<10000x128xf32> -> vector<10000x128xf32>
      %reduce_sum3A = arith.constant dense<0.000000e+00> : vector<128xf32>
      %reduce_sum3A_31 = vector.multi_reduction <add>, %dot_general3A_30, %reduce_sum3A [0] : vector<10000x128xf32> to vector<128xf32>
      %broadcast_in_dim3A_32 = vector.shape_cast %reduce_sum3A_31 : vector<128xf32> to vector<1x128xf32>
      %div3A = arith.constant 1.000000e+04 : f32
      %div3A_33 = vector.broadcast %div3A : f32 to vector<1x128xf32>
      %div3A_34 = arith.divf %broadcast_in_dim3A_32, %div3A_33 : vector<1x128xf32>
      %mul3A = arith.mulf %dot_general3A_30, %dot_general3A_30 : vector<10000x128xf32>
      %reduce_sum3A_35 = arith.constant dense<0.000000e+00> : vector<128xf32>
      %reduce_sum3A_36 = vector.multi_reduction <add>, %mul3A, %reduce_sum3A_35 [0] : vector<10000x128xf32> to vector<128xf32>
      %broadcast_in_dim3A_37 = vector.shape_cast %reduce_sum3A_36 : vector<128xf32> to vector<1x128xf32>
      %div3A_38 = arith.constant 1.000000e+04 : f32
      %div3A_39 = vector.broadcast %div3A_38 : f32 to vector<1x128xf32>
      %div3A_40 = arith.divf %broadcast_in_dim3A_37, %div3A_39 : vector<1x128xf32>
      %mul3A_41 = arith.mulf %div3A_34, %div3A_34 : vector<1x128xf32>
      %sub3A = arith.subf %div3A_40, %mul3A_41 : vector<1x128xf32>
      %sub3A_42 = vector.broadcast %div3A_34 : vector<1x128xf32> to vector<10000x128xf32>
      %sub3A_43 = arith.subf %dot_general3A_30, %sub3A_42 : vector<10000x128xf32>
      %add3A = arith.constant 9.99999974E-6 : f32
      %add3A_44 = vector.broadcast %add3A : f32 to vector<1x128xf32>
      %add3A_45 = arith.addf %sub3A, %add3A_44 : vector<1x128xf32>
      %rsqrt3A = math.rsqrt %add3A_45 : vector<1x128xf32>
      %mul3A_46 = vector.broadcast %rsqrt3A : vector<1x128xf32> to vector<10000x128xf32>
      %mul3A_47 = arith.mulf %sub3A_43, %mul3A_46 : vector<10000x128xf32>
      %ge3A = arith.constant 0.000000e+00 : f32
      %ge3A_48 = vector.broadcast %ge3A : f32 to vector<10000x128xf32>
      %ge3A_49 = arith.cmpf oge, %mul3A_47, %ge3A_48 : vector<10000x128xf32>
      %mul3A_50 = arith.constant 0.00999999977 : f32
      %mul3A_51 = vector.broadcast %mul3A_50 : f32 to vector<10000x128xf32>
      %mul3A_52 = arith.mulf %mul3A_51, %mul3A_47 : vector<10000x128xf32>
      %select_n3A = arith.select %ge3A_49, %mul3A_47, %mul3A_52 : vector<10000x128xi1>, vector<10000x128xf32>
      %get3A_53 = arith.constant 0 : index
      %get3A_54 = arith.constant 0 : index
      %get3A_55 = vector.load %arg5[%get3A_53, %get3A_54] : memref<128x2xf32, #tpu.memory_space<vmem>>, vector<128x2xf32>
      %dot_general3A_56 = arith.constant dense<0.000000e+00> : vector<2x10000xf32>
      %dot_general3A_57 = tpu.matmul %get3A_55, %select_n3A, %dot_general3A_56 {dimension_numbers = #tpu.dot_dimension_numbers<[0], [1], [1], [0], [0, 1, 1, 0], [], []>, transpose_lhs_hint = false} : vector<128x2xf32>, vector<10000x128xf32>, vector<2x10000xf32> -> vector<2x10000xf32>
      %get3A_58 = arith.constant 0 : index
      %get3A_59 = arith.constant 0 : index
      %get3A_60 = vector.load %arg6[%get3A_58, %get3A_59] : memref<2x1xf32, #tpu.memory_space<vmem>>, vector<2x1xf32>
      %add3A_61 = vector.broadcast %get3A_60 : vector<2x1xf32> to vector<2x10000xf32>
      %add3A_62 = arith.addf %dot_general3A_57, %add3A_61 : vector<2x10000xf32>
      %tanh3A = math.tanh %add3A_62 : vector<2x10000xf32>
      %mul3A_63 = arith.constant 3.14159274 : f32
      %mul3A_64 = vector.broadcast %mul3A_63 : f32 to vector<2x10000xf32>
      %mul3A_65 = arith.mulf %tanh3A, %mul3A_64 : vector<2x10000xf32>
      %swap3A_66 = arith.constant 0 : index
      %swap3A_67 = arith.constant 0 : index
      %swap3A_68 = vector.load %arg10[%swap3A_66, %swap3A_67] : memref<2x10000xf32, #tpu.memory_space<vmem>>, vector<2x10000xf32>
      tpu.vector_store %arg10[%swap3A_66, %swap3A_67], %mul3A_65 {strides = array<i32>} : memref<2x10000xf32, #tpu.memory_space<vmem>>, vector<2x10000xf32>,
    } else {
    }
    %get3A = arith.constant 0 : index
    %get3A_4 = arith.constant 0 : index
    %get3A_5 = vector.load %arg7[%get3A, %get3A_4] : memref<16x128xf32, #tpu.memory_space<vmem>>, vector<16x128xf32>
    %get3A_6 = arith.constant 0 : index
    %get3A_7 = arith.constant 0 : index
    %get3A_8 = vector.load %arg3[%get3A_6, %get3A_7] : memref<16x16000xf32, #tpu.memory_space<vmem>>, vector<16x16000xf32>
    %dot_general3A = arith.constant dense<0.000000e+00> : vector<128x16000xf32>
    %dot_general3A_9 = tpu.matmul %get3A_5, %get3A_8, %dot_general3A {dimension_numbers = #tpu.dot_dimension_numbers<[0], [0], [1], [1], [0, 1, 1, 1], [], []>, transpose_lhs_hint = false} : vector<16x128xf32>, vector<16x16000xf32>, vector<128x16000xf32> -> vector<128x16000xf32>
    %eq3A_10 = arith.constant 0 : i32
    %eq3A_11 = arith.cmpi eq, %arg0, %eq3A_10 : i32
    %convert_element_type3A_12 = arith.extui %eq3A_11 : i1 to i32
    %cond3A_13 = arith.constant 0 : i32
    %cond3A_14 = arith.cmpi ne, %convert_element_type3A_12, %cond3A_13 : i32
    scf.if %cond3A_14 {
      %get3A_20 = arith.constant 0 : index
      %get3A_21 = arith.constant 0 : index
      %get3A_22 = vector.load %arg12[%get3A_20, %get3A_21] : memref<128x2xf32, #tpu.memory_space<vmem>>, vector<128x1xf32>
      %reduce_sum3A = arith.constant dense<0.000000e+00> : vector<128xf32>
      %reduce_sum3A_23 = vector.multi_reduction <add>, %dot_general3A_9, %reduce_sum3A [1] : vector<128x16000xf32> to vector<128xf32>
      %broadcast_in_dim3A = vector.shape_cast %reduce_sum3A_23 : vector<128xf32> to vector<128x1xf32>
      %add3A = arith.addf %get3A_22, %broadcast_in_dim3A : vector<128x1xf32>
      %swap3A = arith.constant 0 : index
      %swap3A_24 = arith.constant 0 : index
      %swap3A_25 = vector.load %arg12[%swap3A, %swap3A_24] : memref<128x2xf32, #tpu.memory_space<vmem>>, vector<128x1xf32>
      tpu.vector_store %arg12[%swap3A, %swap3A_24], %add3A {strides = array<i32>} : memref<128x2xf32, #tpu.memory_space<vmem>>, vector<128x1xf32>,
      %get3A_26 = arith.constant 0 : index
      %get3A_27 = arith.constant 1 : index
      %get3A_28 = vector.load %arg12[%get3A_26, %get3A_27] : memref<128x2xf32, #tpu.memory_space<vmem>>, vector<128x1xf32>
      %mul3A = arith.mulf %dot_general3A_9, %dot_general3A_9 : vector<128x16000xf32>
      %reduce_sum3A_29 = arith.constant dense<0.000000e+00> : vector<128xf32>
      %reduce_sum3A_30 = vector.multi_reduction <add>, %mul3A, %reduce_sum3A_29 [1] : vector<128x16000xf32> to vector<128xf32>
      %broadcast_in_dim3A_31 = vector.shape_cast %reduce_sum3A_30 : vector<128xf32> to vector<128x1xf32>
      %add3A_32 = arith.addf %get3A_28, %broadcast_in_dim3A_31 : vector<128x1xf32>
      %swap3A_33 = arith.constant 0 : index
      %swap3A_34 = arith.constant 1 : index
      %swap3A_35 = vector.load %arg12[%swap3A_33, %swap3A_34] : memref<128x2xf32, #tpu.memory_space<vmem>>, vector<128x1xf32>
      tpu.vector_store %arg12[%swap3A_33, %swap3A_34], %add3A_32 {strides = array<i32>} : memref<128x2xf32, #tpu.memory_space<vmem>>, vector<128x1xf32>,
    } else {
    }
    %eq3A_15 = arith.constant 1 : i32
    %eq3A_16 = arith.cmpi eq, %arg0, %eq3A_15 : i32
    %convert_element_type3A_17 = arith.extui %eq3A_16 : i1 to i32
    %cond3A_18 = arith.constant 0 : i32
    %cond3A_19 = arith.cmpi ne, %convert_element_type3A_17, %cond3A_18 : i32
    scf.if %cond3A_19 {
      %get3A_20 = arith.constant 0 : index
      %get3A_21 = arith.constant 0 : index
      %get3A_22 = vector.load %arg12[%get3A_20, %get3A_21] : memref<128x2xf32, #tpu.memory_space<vmem>>, vector<128x1xf32>
      %div3A = arith.constant 1.600000e+05 : f32
      %div3A_23 = vector.broadcast %div3A : f32 to vector<128x1xf32>
      %div3A_24 = arith.divf %get3A_22, %div3A_23 : vector<128x1xf32>
      %get3A_25 = arith.constant 0 : index
      %get3A_26 = arith.constant 1 : index
      %get3A_27 = vector.load %arg12[%get3A_25, %get3A_26] : memref<128x2xf32, #tpu.memory_space<vmem>>, vector<128x1xf32>
      %div3A_28 = arith.constant 1.600000e+05 : f32
      %div3A_29 = vector.broadcast %div3A_28 : f32 to vector<128x1xf32>
      %div3A_30 = arith.divf %get3A_27, %div3A_29 : vector<128x1xf32>
      %mul3A = arith.mulf %div3A_24, %div3A_24 : vector<128x1xf32>
      %sub3A = arith.subf %div3A_30, %mul3A : vector<128x1xf32>
      %sub3A_31 = vector.broadcast %div3A_24 : vector<128x1xf32> to vector<128x16000xf32>
      %sub3A_32 = arith.subf %dot_general3A_9, %sub3A_31 : vector<128x16000xf32>
      %add3A = arith.constant 9.99999974E-6 : f32
      %add3A_33 = vector.broadcast %add3A : f32 to vector<128x1xf32>
      %add3A_34 = arith.addf %sub3A, %add3A_33 : vector<128x1xf32>
      %rsqrt3A = math.rsqrt %add3A_34 : vector<128x1xf32>
      %mul3A_35 = vector.broadcast %rsqrt3A : vector<128x1xf32> to vector<128x16000xf32>
      %mul3A_36 = arith.mulf %sub3A_32, %mul3A_35 : vector<128x16000xf32>
      %ge3A = arith.constant 0.000000e+00 : f32
      %ge3A_37 = vector.broadcast %ge3A : f32 to vector<128x16000xf32>
      %ge3A_38 = arith.cmpf oge, %mul3A_36, %ge3A_37 : vector<128x16000xf32>
      %mul3A_39 = arith.constant 0.00999999977 : f32
      %mul3A_40 = vector.broadcast %mul3A_39 : f32 to vector<128x16000xf32>
      %mul3A_41 = arith.mulf %mul3A_40, %mul3A_36 : vector<128x16000xf32>
      %select_n3A = arith.select %ge3A_38, %mul3A_36, %mul3A_41 : vector<128x16000xi1>, vector<128x16000xf32>
      %get3A_42 = arith.constant 0 : index
      %get3A_43 = arith.constant 0 : index
      %get3A_44 = vector.load %arg8[%get3A_42, %get3A_43] : memref<128x2xf32, #tpu.memory_space<vmem>>, vector<128x2xf32>
      %dot_general3A_45 = arith.constant dense<0.000000e+00> : vector<2x16000xf32>
      %dot_general3A_46 = tpu.matmul %get3A_44, %select_n3A, %dot_general3A_45 {dimension_numbers = #tpu.dot_dimension_numbers<[0], [0], [1], [1], [0, 1, 1, 1], [], []>, transpose_lhs_hint = false} : vector<128x2xf32>, vector<128x16000xf32>, vector<2x16000xf32> -> vector<2x16000xf32>
      %get3A_47 = arith.constant 0 : index
      %get3A_48 = arith.constant 0 : index
      %get3A_49 = vector.load %arg9[%get3A_47, %get3A_48] : memref<2x1xf32, #tpu.memory_space<vmem>>, vector<2x1xf32>
      %add3A_50 = vector.broadcast %get3A_49 : vector<2x1xf32> to vector<2x16000xf32>
      %add3A_51 = arith.addf %dot_general3A_46, %add3A_50 : vector<2x16000xf32>
      %tanh3A = math.tanh %add3A_51 : vector<2x16000xf32>
      %mul3A_52 = arith.constant 3.14159274 : f32
      %mul3A_53 = vector.broadcast %mul3A_52 : f32 to vector<2x16000xf32>
      %mul3A_54 = arith.mulf %tanh3A, %mul3A_53 : vector<2x16000xf32>
      %swap3A = arith.constant 0 : index
      %swap3A_55 = arith.constant 0 : index
      %swap3A_56 = vector.load %arg11[%swap3A, %swap3A_55] : memref<2x16000xf32, #tpu.memory_space<vmem>>, vector<2x16000xf32>
      tpu.vector_store %arg11[%swap3A, %swap3A_55], %mul3A_54 {strides = array<i32>} : memref<2x16000xf32, #tpu.memory_space<vmem>>, vector<2x16000xf32>,
    } else {
    }
    return
  }
  func.func @transform_0(%arg0: i32, %arg1: i32) -> (i32, i32) {
    %c0_i32 = arith.constant 0 : i32
    %c0_i32_0 = arith.constant 0 : i32
    %c0_i32_1 = arith.constant 0 : i32
    return %c0_i32, %c0_i32_0 : i32, i32
  }
  func.func @transform_1(%arg0: i32, %arg1: i32) -> (i32, i32) {
    %c0_i32 = arith.constant 0 : i32
    %c0_i32_0 = arith.constant 0 : i32
    return %c0_i32, %arg1 : i32, i32
  }
  func.func @transform_2(%arg0: i32, %arg1: i32) -> (i32, i32) {
    %c0_i32 = arith.constant 0 : i32
    %c0_i32_0 = arith.constant 0 : i32
    %c0_i32_1 = arith.constant 0 : i32
    return %c0_i32, %c0_i32_0 : i32, i32
  }
  func.func @transform_3(%arg0: i32, %arg1: i32) -> (i32, i32) {
    %c0_i32 = arith.constant 0 : i32
    %c0_i32_0 = arith.constant 0 : i32
    %c0_i32_1 = arith.constant 0 : i32
    return %c0_i32, %c0_i32_0 : i32, i32
  }
  func.func @transform_4(%arg0: i32, %arg1: i32) -> (i32, i32) {
    %c0_i32 = arith.constant 0 : i32
    %c0_i32_0 = arith.constant 0 : i32
    %c0_i32_1 = arith.constant 0 : i32
    return %c0_i32, %c0_i32_0 : i32, i32
  }
  func.func @transform_5(%arg0: i32, %arg1: i32) -> (i32, i32) {
    %c0_i32 = arith.constant 0 : i32
    %c0_i32_0 = arith.constant 0 : i32
    %c0_i32_1 = arith.constant 0 : i32
    return %c0_i32, %c0_i32_0 : i32, i32
  }
  func.func @transform_6(%arg0: i32, %arg1: i32) -> (i32, i32) {
    %c0_i32 = arith.constant 0 : i32
    %c0_i32_0 = arith.constant 0 : i32
    %c0_i32_1 = arith.constant 0 : i32
    return %c0_i32, %c0_i32_0 : i32, i32
  }
  func.func @transform_7(%arg0: i32, %arg1: i32) -> (i32, i32) {
    %c0_i32 = arith.constant 0 : i32
    %c0_i32_0 = arith.constant 0 : i32
    %c0_i32_1 = arith.constant 0 : i32
    return %c0_i32, %c0_i32_0 : i32, i32
  }
  func.func @transform_8(%arg0: i32, %arg1: i32) -> (i32, i32) {
    %c0_i32 = arith.constant 0 : i32
    %c0_i32_0 = arith.constant 0 : i32
    %c0_i32_1 = arith.constant 0 : i32
    return %c0_i32, %c0_i32_0 : i32, i32
  }
  func.func @transform_9(%arg0: i32, %arg1: i32) -> (i32, i32) {
    %c0_i32 = arith.constant 0 : i32
    %c0_i32_0 = arith.constant 0 : i32
    return %c0_i32, %arg1 : i32, i32
  }
}

module attributes {stable_mosaic.version = 14 : i64} {
  func.func @_prefix_body(%arg0: memref<32x10016xi32, #tpu.memory_space<vmem>>, %arg1: memref<32x10016xi32, #tpu.memory_space<vmem>>, %arg2: memref<1x10016xi32, #tpu.memory_space<vmem>>) attributes {dimension_semantics = [], scalar_prefetch = 0 : i64, scratch_operands = 0 : i64, tpu.core_type = #tpu.core_type<tc>} {
    %get3A = arith.constant 0 : index
    %get3A_0 = arith.constant 0 : index
    %get3A_1 = vector.load %arg0[%get3A, %get3A_0] : memref<32x10016xi32, #tpu.memory_space<vmem>>, vector<32x10016xi32>
    %broadcast_in_dim3A = arith.constant 0 : i32
    %broadcast_in_dim3A_2 = vector.broadcast %broadcast_in_dim3A : i32 to vector<1x10016xi32>
    %slice3A = vector.extract_strided_slice %get3A_1 {offsets = [0, 0], sizes = [1, 10016], strides = [1, 1]} : vector<32x10016xi32> to vector<1x10016xi32>
    %add3A = arith.addi %broadcast_in_dim3A_2, %slice3A : vector<1x10016xi32>
    %slice3A_3 = vector.extract_strided_slice %get3A_1 {offsets = [1, 0], sizes = [1, 10016], strides = [1, 1]} : vector<32x10016xi32> to vector<1x10016xi32>
    %add3A_4 = arith.addi %add3A, %slice3A_3 : vector<1x10016xi32>
    %slice3A_5 = vector.extract_strided_slice %get3A_1 {offsets = [2, 0], sizes = [1, 10016], strides = [1, 1]} : vector<32x10016xi32> to vector<1x10016xi32>
    %add3A_6 = arith.addi %add3A_4, %slice3A_5 : vector<1x10016xi32>
    %slice3A_7 = vector.extract_strided_slice %get3A_1 {offsets = [3, 0], sizes = [1, 10016], strides = [1, 1]} : vector<32x10016xi32> to vector<1x10016xi32>
    %add3A_8 = arith.addi %add3A_6, %slice3A_7 : vector<1x10016xi32>
    %slice3A_9 = vector.extract_strided_slice %get3A_1 {offsets = [4, 0], sizes = [1, 10016], strides = [1, 1]} : vector<32x10016xi32> to vector<1x10016xi32>
    %add3A_10 = arith.addi %add3A_8, %slice3A_9 : vector<1x10016xi32>
    %slice3A_11 = vector.extract_strided_slice %get3A_1 {offsets = [5, 0], sizes = [1, 10016], strides = [1, 1]} : vector<32x10016xi32> to vector<1x10016xi32>
    %add3A_12 = arith.addi %add3A_10, %slice3A_11 : vector<1x10016xi32>
    %slice3A_13 = vector.extract_strided_slice %get3A_1 {offsets = [6, 0], sizes = [1, 10016], strides = [1, 1]} : vector<32x10016xi32> to vector<1x10016xi32>
    %add3A_14 = arith.addi %add3A_12, %slice3A_13 : vector<1x10016xi32>
    %slice3A_15 = vector.extract_strided_slice %get3A_1 {offsets = [7, 0], sizes = [1, 10016], strides = [1, 1]} : vector<32x10016xi32> to vector<1x10016xi32>
    %add3A_16 = arith.addi %add3A_14, %slice3A_15 : vector<1x10016xi32>
    %slice3A_17 = vector.extract_strided_slice %get3A_1 {offsets = [8, 0], sizes = [1, 10016], strides = [1, 1]} : vector<32x10016xi32> to vector<1x10016xi32>
    %add3A_18 = arith.addi %add3A_16, %slice3A_17 : vector<1x10016xi32>
    %slice3A_19 = vector.extract_strided_slice %get3A_1 {offsets = [9, 0], sizes = [1, 10016], strides = [1, 1]} : vector<32x10016xi32> to vector<1x10016xi32>
    %add3A_20 = arith.addi %add3A_18, %slice3A_19 : vector<1x10016xi32>
    %slice3A_21 = vector.extract_strided_slice %get3A_1 {offsets = [10, 0], sizes = [1, 10016], strides = [1, 1]} : vector<32x10016xi32> to vector<1x10016xi32>
    %add3A_22 = arith.addi %add3A_20, %slice3A_21 : vector<1x10016xi32>
    %slice3A_23 = vector.extract_strided_slice %get3A_1 {offsets = [11, 0], sizes = [1, 10016], strides = [1, 1]} : vector<32x10016xi32> to vector<1x10016xi32>
    %add3A_24 = arith.addi %add3A_22, %slice3A_23 : vector<1x10016xi32>
    %slice3A_25 = vector.extract_strided_slice %get3A_1 {offsets = [12, 0], sizes = [1, 10016], strides = [1, 1]} : vector<32x10016xi32> to vector<1x10016xi32>
    %add3A_26 = arith.addi %add3A_24, %slice3A_25 : vector<1x10016xi32>
    %slice3A_27 = vector.extract_strided_slice %get3A_1 {offsets = [13, 0], sizes = [1, 10016], strides = [1, 1]} : vector<32x10016xi32> to vector<1x10016xi32>
    %add3A_28 = arith.addi %add3A_26, %slice3A_27 : vector<1x10016xi32>
    %slice3A_29 = vector.extract_strided_slice %get3A_1 {offsets = [14, 0], sizes = [1, 10016], strides = [1, 1]} : vector<32x10016xi32> to vector<1x10016xi32>
    %add3A_30 = arith.addi %add3A_28, %slice3A_29 : vector<1x10016xi32>
    %slice3A_31 = vector.extract_strided_slice %get3A_1 {offsets = [15, 0], sizes = [1, 10016], strides = [1, 1]} : vector<32x10016xi32> to vector<1x10016xi32>
    %add3A_32 = arith.addi %add3A_30, %slice3A_31 : vector<1x10016xi32>
    %slice3A_33 = vector.extract_strided_slice %get3A_1 {offsets = [16, 0], sizes = [1, 10016], strides = [1, 1]} : vector<32x10016xi32> to vector<1x10016xi32>
    %add3A_34 = arith.addi %add3A_32, %slice3A_33 : vector<1x10016xi32>
    %slice3A_35 = vector.extract_strided_slice %get3A_1 {offsets = [17, 0], sizes = [1, 10016], strides = [1, 1]} : vector<32x10016xi32> to vector<1x10016xi32>
    %add3A_36 = arith.addi %add3A_34, %slice3A_35 : vector<1x10016xi32>
    %slice3A_37 = vector.extract_strided_slice %get3A_1 {offsets = [18, 0], sizes = [1, 10016], strides = [1, 1]} : vector<32x10016xi32> to vector<1x10016xi32>
    %add3A_38 = arith.addi %add3A_36, %slice3A_37 : vector<1x10016xi32>
    %slice3A_39 = vector.extract_strided_slice %get3A_1 {offsets = [19, 0], sizes = [1, 10016], strides = [1, 1]} : vector<32x10016xi32> to vector<1x10016xi32>
    %add3A_40 = arith.addi %add3A_38, %slice3A_39 : vector<1x10016xi32>
    %slice3A_41 = vector.extract_strided_slice %get3A_1 {offsets = [20, 0], sizes = [1, 10016], strides = [1, 1]} : vector<32x10016xi32> to vector<1x10016xi32>
    %add3A_42 = arith.addi %add3A_40, %slice3A_41 : vector<1x10016xi32>
    %slice3A_43 = vector.extract_strided_slice %get3A_1 {offsets = [21, 0], sizes = [1, 10016], strides = [1, 1]} : vector<32x10016xi32> to vector<1x10016xi32>
    %add3A_44 = arith.addi %add3A_42, %slice3A_43 : vector<1x10016xi32>
    %slice3A_45 = vector.extract_strided_slice %get3A_1 {offsets = [22, 0], sizes = [1, 10016], strides = [1, 1]} : vector<32x10016xi32> to vector<1x10016xi32>
    %add3A_46 = arith.addi %add3A_44, %slice3A_45 : vector<1x10016xi32>
    %slice3A_47 = vector.extract_strided_slice %get3A_1 {offsets = [23, 0], sizes = [1, 10016], strides = [1, 1]} : vector<32x10016xi32> to vector<1x10016xi32>
    %add3A_48 = arith.addi %add3A_46, %slice3A_47 : vector<1x10016xi32>
    %slice3A_49 = vector.extract_strided_slice %get3A_1 {offsets = [24, 0], sizes = [1, 10016], strides = [1, 1]} : vector<32x10016xi32> to vector<1x10016xi32>
    %add3A_50 = arith.addi %add3A_48, %slice3A_49 : vector<1x10016xi32>
    %slice3A_51 = vector.extract_strided_slice %get3A_1 {offsets = [25, 0], sizes = [1, 10016], strides = [1, 1]} : vector<32x10016xi32> to vector<1x10016xi32>
    %add3A_52 = arith.addi %add3A_50, %slice3A_51 : vector<1x10016xi32>
    %slice3A_53 = vector.extract_strided_slice %get3A_1 {offsets = [26, 0], sizes = [1, 10016], strides = [1, 1]} : vector<32x10016xi32> to vector<1x10016xi32>
    %add3A_54 = arith.addi %add3A_52, %slice3A_53 : vector<1x10016xi32>
    %slice3A_55 = vector.extract_strided_slice %get3A_1 {offsets = [27, 0], sizes = [1, 10016], strides = [1, 1]} : vector<32x10016xi32> to vector<1x10016xi32>
    %add3A_56 = arith.addi %add3A_54, %slice3A_55 : vector<1x10016xi32>
    %slice3A_57 = vector.extract_strided_slice %get3A_1 {offsets = [28, 0], sizes = [1, 10016], strides = [1, 1]} : vector<32x10016xi32> to vector<1x10016xi32>
    %add3A_58 = arith.addi %add3A_56, %slice3A_57 : vector<1x10016xi32>
    %slice3A_59 = vector.extract_strided_slice %get3A_1 {offsets = [29, 0], sizes = [1, 10016], strides = [1, 1]} : vector<32x10016xi32> to vector<1x10016xi32>
    %add3A_60 = arith.addi %add3A_58, %slice3A_59 : vector<1x10016xi32>
    %slice3A_61 = vector.extract_strided_slice %get3A_1 {offsets = [30, 0], sizes = [1, 10016], strides = [1, 1]} : vector<32x10016xi32> to vector<1x10016xi32>
    %add3A_62 = arith.addi %add3A_60, %slice3A_61 : vector<1x10016xi32>
    %slice3A_63 = vector.extract_strided_slice %get3A_1 {offsets = [31, 0], sizes = [1, 10016], strides = [1, 1]} : vector<32x10016xi32> to vector<1x10016xi32>
    %add3A_64 = arith.addi %add3A_62, %slice3A_63 : vector<1x10016xi32>
    %concatenate3A = tpu.concatenate %broadcast_in_dim3A_2, %add3A, %add3A_4, %add3A_6, %add3A_8, %add3A_10, %add3A_12, %add3A_14, %add3A_16, %add3A_18, %add3A_20, %add3A_22, %add3A_24, %add3A_26, %add3A_28, %add3A_30, %add3A_32, %add3A_34, %add3A_36, %add3A_38, %add3A_40, %add3A_42, %add3A_44, %add3A_46, %add3A_48, %add3A_50, %add3A_52, %add3A_54, %add3A_56, %add3A_58, %add3A_60, %add3A_62 in 0 : vector<1x10016xi32>, vector<1x10016xi32>, vector<1x10016xi32>, vector<1x10016xi32>, vector<1x10016xi32>, vector<1x10016xi32>, vector<1x10016xi32>, vector<1x10016xi32>, vector<1x10016xi32>, vector<1x10016xi32>, vector<1x10016xi32>, vector<1x10016xi32>, vector<1x10016xi32>, vector<1x10016xi32>, vector<1x10016xi32>, vector<1x10016xi32>, vector<1x10016xi32>, vector<1x10016xi32>, vector<1x10016xi32>, vector<1x10016xi32>, vector<1x10016xi32>, vector<1x10016xi32>, vector<1x10016xi32>, vector<1x10016xi32>, vector<1x10016xi32>, vector<1x10016xi32>, vector<1x10016xi32>, vector<1x10016xi32>, vector<1x10016xi32>, vector<1x10016xi32>, vector<1x10016xi32>, vector<1x10016xi32> -> vector<32x10016xi32>
    %swap3A = arith.constant 0 : index
    %swap3A_65 = arith.constant 0 : index
    %swap3A_66 = vector.load %arg1[%swap3A, %swap3A_65] : memref<32x10016xi32, #tpu.memory_space<vmem>>, vector<32x10016xi32>
    tpu.vector_store %arg1[%swap3A, %swap3A_65], %concatenate3A {strides = array<i32>} : memref<32x10016xi32, #tpu.memory_space<vmem>>, vector<32x10016xi32>,
    %swap3A_67 = arith.constant 0 : index
    %swap3A_68 = arith.constant 0 : index
    %swap3A_69 = vector.load %arg2[%swap3A_67, %swap3A_68] : memref<1x10016xi32, #tpu.memory_space<vmem>>, vector<1x10016xi32>
    tpu.vector_store %arg2[%swap3A_67, %swap3A_68], %add3A_64 {strides = array<i32>} : memref<1x10016xi32, #tpu.memory_space<vmem>>, vector<1x10016xi32>,
    return
  }
}

module attributes {stable_mosaic.version = 14 : i64} {
  func.func @_final_body(%arg0: memref<32x3x3x10000xf32, #tpu.memory_space<vmem>>, %arg1: memref<2x10000xf32, #tpu.memory_space<vmem>>, %arg2: memref<1x10000xi32, #tpu.memory_space<vmem>>, %arg3: memref<1x10000xi32, #tpu.memory_space<vmem>>, %arg4: memref<14x3xf32, #tpu.memory_space<vmem>>, %arg5: memref<5x128xf32, #tpu.memory_space<vmem>>, %arg6: memref<128x1xf32, #tpu.memory_space<vmem>>, %arg7: memref<128x2xf32, #tpu.memory_space<vmem>>, %arg8: memref<2x1xf32, #tpu.memory_space<vmem>>, %arg9: memref<2x1xf32, #tpu.memory_space<vmem>>, %arg10: memref<2x1xf32, #tpu.memory_space<vmem>>, %arg11: memref<2x128xf32, #tpu.memory_space<vmem>>, %arg12: memref<1x128xf32, #tpu.memory_space<vmem>>, %arg13: memref<128x128xf32, #tpu.memory_space<vmem>>, %arg14: memref<1x128xf32, #tpu.memory_space<vmem>>, %arg15: memref<128x2xf32, #tpu.memory_space<vmem>>, %arg16: memref<1x2xf32, #tpu.memory_space<vmem>>, %arg17: memref<64x2xf32, #tpu.memory_space<vmem>>) attributes {dimension_semantics = [], scalar_prefetch = 0 : i64, scratch_operands = 0 : i64, tpu.core_type = #tpu.core_type<tc>} {
    %get3A = arith.constant 0 : index
    %get3A_0 = arith.constant 0 : index
    %get3A_1 = arith.constant 0 : index
    %get3A_2 = arith.constant 0 : index
    %get3A_3 = vector.load %arg0[%get3A, %get3A_0, %get3A_1, %get3A_2] : memref<32x3x3x10000xf32, #tpu.memory_space<vmem>>, vector<32x3x3x10000xf32>
    %reduce_sum3A = arith.constant dense<0.000000e+00> : vector<3x3x10000xf32>
    %reduce_sum3A_4 = vector.multi_reduction <add>, %get3A_3, %reduce_sum3A [0] : vector<32x3x3x10000xf32> to vector<3x3x10000xf32>
    %get3A_5 = arith.constant 0 : index
    %get3A_6 = arith.constant 0 : index
    %get3A_7 = vector.load %arg1[%get3A_5, %get3A_6] : memref<2x10000xf32, #tpu.memory_space<vmem>>, vector<2x10000xf32>
    %get3A_8 = arith.constant 0 : index
    %get3A_9 = arith.constant 0 : index
    %get3A_10 = vector.load %arg4[%get3A_8, %get3A_9] : memref<14x3xf32, #tpu.memory_space<vmem>>, vector<14x3xf32>
    %slice3A = vector.extract_strided_slice %get3A_10 {offsets = [6, 0], sizes = [2, 3], strides = [1, 1]} : vector<14x3xf32> to vector<2x3xf32>
    %dot_general3A = arith.constant dense<0.000000e+00> : vector<3x10000xf32>
    %dot_general3A_11 = tpu.matmul %slice3A, %get3A_7, %dot_general3A {dimension_numbers = #tpu.dot_dimension_numbers<[0], [0], [1], [1], [0, 1, 1, 1], [], []>, transpose_lhs_hint = false} : vector<2x3xf32>, vector<2x10000xf32>, vector<3x10000xf32> -> vector<3x10000xf32>
    %reduce_sum3A_12 = arith.constant dense<0.000000e+00> : vector<3x10000xf32>
    %reduce_sum3A_13 = vector.multi_reduction <add>, %reduce_sum3A_4, %reduce_sum3A_12 [1] : vector<3x3x10000xf32> to vector<3x10000xf32>
    %add3A = arith.addf %reduce_sum3A_13, %dot_general3A_11 : vector<3x10000xf32>
    %cos3A = math.cos %add3A : vector<3x10000xf32>
    %concatenate3A = tpu.concatenate %get3A_7, %cos3A in 0 : vector<2x10000xf32>, vector<3x10000xf32> -> vector<5x10000xf32>
    %get3A_14 = arith.constant 0 : index
    %get3A_15 = arith.constant 0 : index
    %get3A_16 = vector.load %arg5[%get3A_14, %get3A_15] : memref<5x128xf32, #tpu.memory_space<vmem>>, vector<5x128xf32>
    %dot_general3A_17 = arith.constant dense<0.000000e+00> : vector<128x10000xf32>
    %dot_general3A_18 = tpu.matmul %get3A_16, %concatenate3A, %dot_general3A_17 {dimension_numbers = #tpu.dot_dimension_numbers<[0], [0], [1], [1], [0, 1, 1, 1], [], []>, transpose_lhs_hint = false} : vector<5x128xf32>, vector<5x10000xf32>, vector<128x10000xf32> -> vector<128x10000xf32>
    %get3A_19 = arith.constant 0 : index
    %get3A_20 = arith.constant 0 : index
    %get3A_21 = vector.load %arg6[%get3A_19, %get3A_20] : memref<128x1xf32, #tpu.memory_space<vmem>>, vector<128x1xf32>
    %add3A_22 = vector.broadcast %get3A_21 : vector<128x1xf32> to vector<128x10000xf32>
    %add3A_23 = arith.addf %dot_general3A_18, %add3A_22 : vector<128x10000xf32>
    %ge3A = arith.constant 0.000000e+00 : f32
    %ge3A_24 = vector.broadcast %ge3A : f32 to vector<128x10000xf32>
    %ge3A_25 = arith.cmpf oge, %add3A_23, %ge3A_24 : vector<128x10000xf32>
    %mul3A = arith.constant 0.00999999977 : f32
    %mul3A_26 = vector.broadcast %mul3A : f32 to vector<128x10000xf32>
    %mul3A_27 = arith.mulf %mul3A_26, %add3A_23 : vector<128x10000xf32>
    %select_n3A = arith.select %ge3A_25, %add3A_23, %mul3A_27 : vector<128x10000xi1>, vector<128x10000xf32>
    %get3A_28 = arith.constant 0 : index
    %get3A_29 = arith.constant 0 : index
    %get3A_30 = vector.load %arg7[%get3A_28, %get3A_29] : memref<128x2xf32, #tpu.memory_space<vmem>>, vector<128x2xf32>
    %dot_general3A_31 = arith.constant dense<0.000000e+00> : vector<2x10000xf32>
    %dot_general3A_32 = tpu.matmul %get3A_30, %select_n3A, %dot_general3A_31 {dimension_numbers = #tpu.dot_dimension_numbers<[0], [0], [1], [1], [0, 1, 1, 1], [], []>, transpose_lhs_hint = false} : vector<128x2xf32>, vector<128x10000xf32>, vector<2x10000xf32> -> vector<2x10000xf32>
    %get3A_33 = arith.constant 0 : index
    %get3A_34 = arith.constant 0 : index
    %get3A_35 = vector.load %arg8[%get3A_33, %get3A_34] : memref<2x1xf32, #tpu.memory_space<vmem>>, vector<2x1xf32>
    %add3A_36 = vector.broadcast %get3A_35 : vector<2x1xf32> to vector<2x10000xf32>
    %add3A_37 = arith.addf %dot_general3A_32, %add3A_36 : vector<2x10000xf32>
    %get3A_38 = arith.constant 0 : index
    %get3A_39 = arith.constant 0 : index
    %get3A_40 = vector.load %arg2[%get3A_38, %get3A_39] : memref<1x10000xi32, #tpu.memory_space<vmem>>, vector<1x10000xi32>
    %gt3A = arith.constant 0 : i32
    %gt3A_41 = vector.broadcast %gt3A : i32 to vector<1x10000xi32>
    %gt3A_42 = arith.cmpi sgt, %get3A_40, %gt3A_41 : vector<1x10000xi32>
    %convert_element_type3A = arith.extui %gt3A_42 : vector<1x10000xi1> to vector<1x10000xi32>
    %convert_element_type3A_43 = arith.sitofp %convert_element_type3A : vector<1x10000xi32> to vector<1x10000xf32>
    %mul3A_44 = vector.broadcast %convert_element_type3A_43 : vector<1x10000xf32> to vector<2x10000xf32>
    %mul3A_45 = arith.mulf %add3A_37, %mul3A_44 : vector<2x10000xf32>
    %slice3A_46 = vector.extract_strided_slice %mul3A_45 {offsets = [0, 0], sizes = [1, 10000], strides = [1, 1]} : vector<2x10000xf32> to vector<1x10000xf32>
    %slice3A_47 = vector.extract_strided_slice %mul3A_45 {offsets = [1, 0], sizes = [1, 10000], strides = [1, 1]} : vector<2x10000xf32> to vector<1x10000xf32>
    %add3A_48 = arith.addf %slice3A_46, %slice3A_47 : vector<1x10000xf32>
    %mul3A_49 = arith.constant 5.000000e-01 : f32
    %mul3A_50 = vector.broadcast %mul3A_49 : f32 to vector<1x10000xf32>
    %mul3A_51 = arith.mulf %add3A_48, %mul3A_50 : vector<1x10000xf32>
    %slice3A_52 = vector.extract_strided_slice %mul3A_45 {offsets = [0, 0], sizes = [1, 10000], strides = [1, 1]} : vector<2x10000xf32> to vector<1x10000xf32>
    %sub3A = arith.subf %slice3A_52, %mul3A_51 : vector<1x10000xf32>
    %integer_pow3A = arith.mulf %sub3A, %sub3A : vector<1x10000xf32>
    %slice3A_53 = vector.extract_strided_slice %mul3A_45 {offsets = [1, 0], sizes = [1, 10000], strides = [1, 1]} : vector<2x10000xf32> to vector<1x10000xf32>
    %sub3A_54 = arith.subf %slice3A_53, %mul3A_51 : vector<1x10000xf32>
    %integer_pow3A_55 = arith.mulf %sub3A_54, %sub3A_54 : vector<1x10000xf32>
    %add3A_56 = arith.addf %integer_pow3A, %integer_pow3A_55 : vector<1x10000xf32>
    %mul3A_57 = arith.constant 5.000000e-01 : f32
    %mul3A_58 = vector.broadcast %mul3A_57 : f32 to vector<1x10000xf32>
    %mul3A_59 = arith.mulf %add3A_56, %mul3A_58 : vector<1x10000xf32>
    %sub3A_60 = vector.broadcast %mul3A_51 : vector<1x10000xf32> to vector<2x10000xf32>
    %sub3A_61 = arith.subf %mul3A_45, %sub3A_60 : vector<2x10000xf32>
    %add3A_62 = arith.constant 9.99999974E-6 : f32
    %add3A_63 = vector.broadcast %add3A_62 : f32 to vector<1x10000xf32>
    %add3A_64 = arith.addf %mul3A_59, %add3A_63 : vector<1x10000xf32>
    %rsqrt3A = math.rsqrt %add3A_64 : vector<1x10000xf32>
    %mul3A_65 = vector.broadcast %rsqrt3A : vector<1x10000xf32> to vector<2x10000xf32>
    %mul3A_66 = arith.mulf %sub3A_61, %mul3A_65 : vector<2x10000xf32>
    %get3A_67 = arith.constant 0 : index
    %get3A_68 = arith.constant 0 : index
    %get3A_69 = vector.load %arg9[%get3A_67, %get3A_68] : memref<2x1xf32, #tpu.memory_space<vmem>>, vector<2x1xf32>
    %mul3A_70 = vector.broadcast %get3A_69 : vector<2x1xf32> to vector<2x10000xf32>
    %mul3A_71 = arith.mulf %mul3A_66, %mul3A_70 : vector<2x10000xf32>
    %get3A_72 = arith.constant 0 : index
    %get3A_73 = arith.constant 0 : index
    %get3A_74 = vector.load %arg10[%get3A_72, %get3A_73] : memref<2x1xf32, #tpu.memory_space<vmem>>, vector<2x1xf32>
    %add3A_75 = vector.broadcast %get3A_74 : vector<2x1xf32> to vector<2x10000xf32>
    %add3A_76 = arith.addf %mul3A_71, %add3A_75 : vector<2x10000xf32>
    %add3A_77 = arith.addf %add3A_76, %get3A_7 : vector<2x10000xf32>
    %iota3A = tpu.iota {dimensions = array<i32: 0>} : vector<64x10000xi32>
    %get3A_78 = arith.constant 0 : index
    %get3A_79 = arith.constant 0 : index
    %get3A_80 = vector.load %arg3[%get3A_78, %get3A_79] : memref<1x10000xi32, #tpu.memory_space<vmem>>, vector<1x10000xi32>
    %eq3A = vector.broadcast %get3A_80 : vector<1x10000xi32> to vector<64x10000xi32>
    %eq3A_81 = arith.cmpi eq, %iota3A, %eq3A : vector<64x10000xi32>
    %convert_element_type3A_82 = arith.extui %eq3A_81 : vector<64x10000xi1> to vector<64x10000xi32>
    %convert_element_type3A_83 = arith.sitofp %convert_element_type3A_82 : vector<64x10000xi32> to vector<64x10000xf32>
    %dot_general3A_84 = arith.constant dense<0.000000e+00> : vector<2x64xf32>
    %dot_general3A_85 = tpu.matmul %add3A_77, %convert_element_type3A_83, %dot_general3A_84 {dimension_numbers = #tpu.dot_dimension_numbers<[1], [1], [0], [0], [0, 0, 1, 0], [], []>, precision = #tpu.contract_precision<fp32>, transpose_lhs_hint = false} : vector<2x10000xf32>, vector<64x10000xf32>, vector<2x64xf32> -> vector<2x64xf32>
    %get3A_86 = arith.constant 0 : index
    %get3A_87 = arith.constant 0 : index
    %get3A_88 = vector.load %arg11[%get3A_86, %get3A_87] : memref<2x128xf32, #tpu.memory_space<vmem>>, vector<2x128xf32>
    %dot_general3A_89 = arith.constant dense<0.000000e+00> : vector<64x128xf32>
    %dot_general3A_90 = tpu.matmul %dot_general3A_85, %get3A_88, %dot_general3A_89 {dimension_numbers = #tpu.dot_dimension_numbers<[0], [0], [1], [1], [0, 1, 1, 1], [], []>, transpose_lhs_hint = false} : vector<2x64xf32>, vector<2x128xf32>, vector<64x128xf32> -> vector<64x128xf32>
    %get3A_91 = arith.constant 0 : index
    %get3A_92 = arith.constant 0 : index
    %get3A_93 = vector.load %arg12[%get3A_91, %get3A_92] : memref<1x128xf32, #tpu.memory_space<vmem>>, vector<1x128xf32>
    %add3A_94 = vector.broadcast %get3A_93 : vector<1x128xf32> to vector<64x128xf32>
    %add3A_95 = arith.addf %dot_general3A_90, %add3A_94 : vector<64x128xf32>
    %reduce_sum3A_96 = arith.constant dense<0.000000e+00> : vector<128xf32>
    %reduce_sum3A_97 = vector.multi_reduction <add>, %add3A_95, %reduce_sum3A_96 [0] : vector<64x128xf32> to vector<128xf32>
    %broadcast_in_dim3A = vector.shape_cast %reduce_sum3A_97 : vector<128xf32> to vector<1x128xf32>
    %div3A = arith.constant 6.400000e+01 : f32
    %div3A_98 = vector.broadcast %div3A : f32 to vector<1x128xf32>
    %div3A_99 = arith.divf %broadcast_in_dim3A, %div3A_98 : vector<1x128xf32>
    %mul3A_100 = arith.mulf %add3A_95, %add3A_95 : vector<64x128xf32>
    %reduce_sum3A_101 = arith.constant dense<0.000000e+00> : vector<128xf32>
    %reduce_sum3A_102 = vector.multi_reduction <add>, %mul3A_100, %reduce_sum3A_101 [0] : vector<64x128xf32> to vector<128xf32>
    %broadcast_in_dim3A_103 = vector.shape_cast %reduce_sum3A_102 : vector<128xf32> to vector<1x128xf32>
    %div3A_104 = arith.constant 6.400000e+01 : f32
    %div3A_105 = vector.broadcast %div3A_104 : f32 to vector<1x128xf32>
    %div3A_106 = arith.divf %broadcast_in_dim3A_103, %div3A_105 : vector<1x128xf32>
    %mul3A_107 = arith.mulf %div3A_99, %div3A_99 : vector<1x128xf32>
    %sub3A_108 = arith.subf %div3A_106, %mul3A_107 : vector<1x128xf32>
    %sub3A_109 = vector.broadcast %div3A_99 : vector<1x128xf32> to vector<64x128xf32>
    %sub3A_110 = arith.subf %add3A_95, %sub3A_109 : vector<64x128xf32>
    %add3A_111 = arith.constant 9.99999974E-6 : f32
    %add3A_112 = vector.broadcast %add3A_111 : f32 to vector<1x128xf32>
    %add3A_113 = arith.addf %sub3A_108, %add3A_112 : vector<1x128xf32>
    %rsqrt3A_114 = math.rsqrt %add3A_113 : vector<1x128xf32>
    %mul3A_115 = vector.broadcast %rsqrt3A_114 : vector<1x128xf32> to vector<64x128xf32>
    %mul3A_116 = arith.mulf %sub3A_110, %mul3A_115 : vector<64x128xf32>
    %ge3A_117 = arith.constant 0.000000e+00 : f32
    %ge3A_118 = vector.broadcast %ge3A_117 : f32 to vector<64x128xf32>
    %ge3A_119 = arith.cmpf oge, %mul3A_116, %ge3A_118 : vector<64x128xf32>
    %mul3A_120 = arith.constant 0.00999999977 : f32
    %mul3A_121 = vector.broadcast %mul3A_120 : f32 to vector<64x128xf32>
    %mul3A_122 = arith.mulf %mul3A_121, %mul3A_116 : vector<64x128xf32>
    %select_n3A_123 = arith.select %ge3A_119, %mul3A_116, %mul3A_122 : vector<64x128xi1>, vector<64x128xf32>
    %get3A_124 = arith.constant 0 : index
    %get3A_125 = arith.constant 0 : index
    %get3A_126 = vector.load %arg13[%get3A_124, %get3A_125] : memref<128x128xf32, #tpu.memory_space<vmem>>, vector<128x128xf32>
    %dot_general3A_127 = arith.constant dense<0.000000e+00> : vector<64x128xf32>
    %dot_general3A_128 = tpu.matmul %select_n3A_123, %get3A_126, %dot_general3A_127 {dimension_numbers = #tpu.dot_dimension_numbers<[1], [0], [0], [1], [0, 0, 1, 1], [], []>, transpose_lhs_hint = false} : vector<64x128xf32>, vector<128x128xf32>, vector<64x128xf32> -> vector<64x128xf32>
    %get3A_129 = arith.constant 0 : index
    %get3A_130 = arith.constant 0 : index
    %get3A_131 = vector.load %arg14[%get3A_129, %get3A_130] : memref<1x128xf32, #tpu.memory_space<vmem>>, vector<1x128xf32>
    %add3A_132 = vector.broadcast %get3A_131 : vector<1x128xf32> to vector<64x128xf32>
    %add3A_133 = arith.addf %dot_general3A_128, %add3A_132 : vector<64x128xf32>
    %reduce_sum3A_134 = arith.constant dense<0.000000e+00> : vector<128xf32>
    %reduce_sum3A_135 = vector.multi_reduction <add>, %add3A_133, %reduce_sum3A_134 [0] : vector<64x128xf32> to vector<128xf32>
    %broadcast_in_dim3A_136 = vector.shape_cast %reduce_sum3A_135 : vector<128xf32> to vector<1x128xf32>
    %div3A_137 = arith.constant 6.400000e+01 : f32
    %div3A_138 = vector.broadcast %div3A_137 : f32 to vector<1x128xf32>
    %div3A_139 = arith.divf %broadcast_in_dim3A_136, %div3A_138 : vector<1x128xf32>
    %mul3A_140 = arith.mulf %add3A_133, %add3A_133 : vector<64x128xf32>
    %reduce_sum3A_141 = arith.constant dense<0.000000e+00> : vector<128xf32>
    %reduce_sum3A_142 = vector.multi_reduction <add>, %mul3A_140, %reduce_sum3A_141 [0] : vector<64x128xf32> to vector<128xf32>
    %broadcast_in_dim3A_143 = vector.shape_cast %reduce_sum3A_142 : vector<128xf32> to vector<1x128xf32>
    %div3A_144 = arith.constant 6.400000e+01 : f32
    %div3A_145 = vector.broadcast %div3A_144 : f32 to vector<1x128xf32>
    %div3A_146 = arith.divf %broadcast_in_dim3A_143, %div3A_145 : vector<1x128xf32>
    %mul3A_147 = arith.mulf %div3A_139, %div3A_139 : vector<1x128xf32>
    %sub3A_148 = arith.subf %div3A_146, %mul3A_147 : vector<1x128xf32>
    %sub3A_149 = vector.broadcast %div3A_139 : vector<1x128xf32> to vector<64x128xf32>
    %sub3A_150 = arith.subf %add3A_133, %sub3A_149 : vector<64x128xf32>
    %add3A_151 = arith.constant 9.99999974E-6 : f32
    %add3A_152 = vector.broadcast %add3A_151 : f32 to vector<1x128xf32>
    %add3A_153 = arith.addf %sub3A_148, %add3A_152 : vector<1x128xf32>
    %rsqrt3A_154 = math.rsqrt %add3A_153 : vector<1x128xf32>
    %mul3A_155 = vector.broadcast %rsqrt3A_154 : vector<1x128xf32> to vector<64x128xf32>
    %mul3A_156 = arith.mulf %sub3A_150, %mul3A_155 : vector<64x128xf32>
    %ge3A_157 = arith.constant 0.000000e+00 : f32
    %ge3A_158 = vector.broadcast %ge3A_157 : f32 to vector<64x128xf32>
    %ge3A_159 = arith.cmpf oge, %mul3A_156, %ge3A_158 : vector<64x128xf32>
    %mul3A_160 = arith.constant 0.00999999977 : f32
    %mul3A_161 = vector.broadcast %mul3A_160 : f32 to vector<64x128xf32>
    %mul3A_162 = arith.mulf %mul3A_161, %mul3A_156 : vector<64x128xf32>
    %select_n3A_163 = arith.select %ge3A_159, %mul3A_156, %mul3A_162 : vector<64x128xi1>, vector<64x128xf32>
    %get3A_164 = arith.constant 0 : index
    %get3A_165 = arith.constant 0 : index
    %get3A_166 = vector.load %arg15[%get3A_164, %get3A_165] : memref<128x2xf32, #tpu.memory_space<vmem>>, vector<128x2xf32>
    %dot_general3A_167 = arith.constant dense<0.000000e+00> : vector<64x2xf32>
    %dot_general3A_168 = tpu.matmul %select_n3A_163, %get3A_166, %dot_general3A_167 {dimension_numbers = #tpu.dot_dimension_numbers<[1], [0], [0], [1], [0, 0, 1, 1], [], []>, transpose_lhs_hint = false} : vector<64x128xf32>, vector<128x2xf32>, vector<64x2xf32> -> vector<64x2xf32>
    %get3A_169 = arith.constant 0 : index
    %get3A_170 = arith.constant 0 : index
    %get3A_171 = vector.load %arg16[%get3A_169, %get3A_170] : memref<1x2xf32, #tpu.memory_space<vmem>>, vector<1x2xf32>
    %add3A_172 = vector.broadcast %get3A_171 : vector<1x2xf32> to vector<64x2xf32>
    %add3A_173 = arith.addf %dot_general3A_168, %add3A_172 : vector<64x2xf32>
    %swap3A = arith.constant 0 : index
    %swap3A_174 = arith.constant 0 : index
    %swap3A_175 = vector.load %arg17[%swap3A, %swap3A_174] : memref<64x2xf32, #tpu.memory_space<vmem>>, vector<64x2xf32>
    tpu.vector_store %arg17[%swap3A, %swap3A_174], %add3A_173 {strides = array<i32>} : memref<64x2xf32, #tpu.memory_space<vmem>>, vector<64x2xf32>,
    return
  }
}

</mosaic_0001>

<sc_bundles>
// kernel: kernel.10.cloned.1.call-start
scs
__scs_entry_jumppad:
0x0: {  	(pc) =	sbr.rel $0x88, $3  }
0x1: {  	(tag) =	ssettag $0x0;
	lr =	simm.s32 $0x1  }
0x2: {  	[smem:$0x3F8A] =	sst lr;
	_ =	strace $0xD0000000  }
0x3: {  	_ = 	snop  }
0x4: {  	_ = 	snop  }
0x5: {  	_ = 	snop  }
0x6: {  	_ = 	snop  }
0x7: {  	_ = 	snop  }
__scs_overlays_trampoline_lowered:
0x8: {  	[smem:$0x3F99] =	sst s0  }
0x9: {  	[smem:$0x3F9A] =	sst s1  }
0xa: {  	[smem:$0x3F9B] =	sst s2  }
0xb: {  	[smem:$0x3F9C] =	sst s3  }
0xc: {  	[smem:$0x3F9D] =	sst s4  }
0xd: {  	[smem:$0x3F9E] =	sst s5  }
0xe: {  	[smem:$0x3F9F] =	sst s6  }
0xf: {  	[smem:$0x3FA0] =	sst s7  }
0x10: {  	[smem:$0x3FA1] =	sst s8  }
0x11: {  	[smem:$0x3FA2] =	sst s9;
	s0 =	simm.s32 @!p0 $0x0  }
0x12: {  	s1 =	sld [smem:$0x3F88];
	s0 =	simm.s32 @p0 $0x1  }
0x13: {  	[smem:$0x3FA3] =	sst s0;
	s0 =	simm.s32 @!p1 $0x0  }
0x14: {  	s2 =	sld [smem:$0x3F87];
	s0 =	simm.s32 @p1 $0x1  }
0x15: {  	[smem:$0x3FA4] =	sst s0;
	s0 =	simm.s32 @!p2 $0x0  }
0x16: {  	s3 =	sld [smem:$0x3FDB];
	s0 =	simm.s32 @p2 $0x1  }
0x17: {  	s4 =	simm.s32 $0x1BF5;
	[smem:$0x3FA6] =	sst s0  }
0x18: {  	s0 =	sld [smem:$0x3F89];
	_ =	swait.ge [sflag:s4], $0x0  }
0x19: {  	s7 =	sld [smem:$0x3F8A]  }
0x1a: {  	s8 =	sadd.s32 $0xFFFFE003, lr  }
0x1b: {  	s9 =	sadd.s32 $0xFFFFFEF7, lr;
	s5 =	simm.s32 $0xFFFFFFFF;
	p2 =	slt.u32 s8, $0xFFFFF086  }
0x1c: {  	p1 =	slt.u32 s9, $0xF7A;
	s5 =	simm.s32 @!p2 $0x0  }
0x1d: {  	s5 =	simm.s32 @p1 $0x1;
	p0 =	seq.s32 s7, s2  }
0x1e: {  	s7 =	smul.u32 @!p0 $0xF7A, s2;
	p2 =	seq.s32 @!p0 s5, $0x0  }
0x1f: {  	s9 =	smul.u32 $0xF7A, s1;
	s8 =	simm.s32 @!p0 $0x1BF5;
	p2 =	por !p2, p0  }
0x20: {  	[sflag:s8] =	ssyncset.s32 @!p0 $0xFFFFF086;
	s6 =	sadd.s32 @!p0 s3, s7;
	s7 =	simm.s32 @!p0 $0x108  }
0x21: {  	s3 =	sadd.s32 s3, s9;
	s6 =	sadd.s32 @!p0 $0x88, s6;
	s7 =	simm.s32 @p2 $0x1082  }
0x22: {  	[simem:s7], [sflag:s8] =	dma.local @!p0 [hbm:s6], $0xF7A  }
0x23: {  	s9 =	sor.u32 $0xD0000000, s2;
	s6 =	simm.s32 $0x108;
	_ =	swait.ge @!p0 [sflag:s8], $0x0  }
0x24: {  	s3 =	sadd.s32 $0x88, s3;
	s6 =	simm.s32 @!p1 $0x1082;
	[sflag:s4] =	ssyncset.s32 $0xFFFFF086  }
0x25: {  	[simem:s6], [sflag:s4] =	dma.local [hbm:s3], $0xF7A  }
0x26: {  	[smem:$0x3F8A] =	sst s1;
	(tag) =	ssettag s2;
	_ =	strace s9  }
0x27: {  	s1 =	sld [smem:$0x3F9A]  }
0x28: {  	s2 =	sld [smem:$0x3F9B]  }
0x29: {  	s4 =	sld [smem:$0x3F9D]  }
0x2a: {  	p0 =	seq.s32 s5, $0x0;
	s5 =	sld [smem:$0x3F9E]  }
0x2b: {  	s6 =	sld [smem:$0x3F9F]  }
0x2c: {  	s7 =	sld [smem:$0x3FA0]  }
0x2d: {  	s3 =	simm.s32 $0x108;
	s8 =	sld [smem:$0x3FA1]  }
0x2e: {  	s3 =	simm.s32 @!p0 $0x1082;
	s9 =	sld [smem:$0x3FA2]  }
0x2f: {  	lr =	sadd.s32 s0, s3;
	s0 =	sld [smem:$0x3F99]  }
0x30: {  	s3 =	sld [smem:$0x3F9C]  }
0x31: {  	[smem:$0x3FA5] =	sst s10  }
0x32: {  	s10 =	sld [smem:$0x3FA3];
	_ =	sdelay $0x3  }
0x33: {  	p0 =	seq.s32 s10, $0x1;
	s10 =	sld [smem:$0x3FA5];
	_ =	sdelay $0x3  }
0x34: {  	[smem:$0x3FA5] =	sst s10  }
0x35: {  	s10 =	sld [smem:$0x3FA4];
	_ =	sdelay $0x3  }
0x36: {  	p1 =	seq.s32 s10, $0x1;
	s10 =	sld [smem:$0x3FA5];
	_ =	sdelay $0x3  }
0x37: {  	[smem:$0x3FA5] =	sst s10  }
0x38: {  	s10 =	sld [smem:$0x3FA6]  }
0x39: {  	_ = 	snop;
	(pc) =	sbr.ind lr, $3  }
0x3a: {  	_ = 	snop  }
0x3b: {  	_ = 	snop  }
0x3c: {  	p2 =	seq.s32 s10, $0x1;
	s10 =	sld [smem:$0x3FA5]  }
0x3d: {  	_ =	shalt  }
0x3e: {  	_ =	shalt  }
0x3f: {  	_ =	shalt  }
0x40: {  	_ =	shalt  }
0x41: {  	_ =	shalt  }
0x42: {  	_ =	shalt  }
0x43: {  	_ =	shalt  }
0x44: {  	_ =	shalt  }
0x45: {  	_ =	shalt  }
0x46: {  	_ =	shalt  }
0x47: {  	_ =	shalt  }
0x48: {  	_ =	shalt  }
0x49: {  	_ =	shalt  }
0x4a: {  	_ =	shalt  }
0x4b: {  	_ =	shalt  }
0x4c: {  	_ =	shalt  }
0x4d: {  	_ =	shalt  }
0x4e: {  	_ =	shalt  }
0x4f: {  	_ =	shalt  }
0x50: {  	_ =	shalt  }
0x51: {  	_ =	shalt  }
0x52: {  	_ =	shalt  }
0x53: {  	_ =	shalt  }
0x54: {  	_ =	shalt  }
0x55: {  	_ =	shalt  }
0x56: {  	_ =	shalt  }
0x57: {  	_ =	shalt  }
0x58: {  	_ =	shalt  }
0x59: {  	_ =	shalt  }
0x5a: {  	_ =	shalt  }
0x5b: {  	_ =	shalt  }
0x5c: {  	_ =	shalt  }
0x5d: {  	_ =	shalt  }
0x5e: {  	_ =	shalt  }
0x5f: {  	_ =	shalt  }
0x60: {  	_ =	shalt  }
0x61: {  	_ =	shalt  }
0x62: {  	_ =	shalt  }
0x63: {  	_ =	shalt  }
0x64: {  	_ =	shalt  }
0x65: {  	_ =	shalt  }
0x66: {  	_ =	shalt  }
0x67: {  	_ =	shalt  }
0x68: {  	_ =	shalt  }
0x69: {  	_ =	shalt  }
0x6a: {  	_ =	shalt  }
0x6b: {  	_ =	shalt  }
0x6c: {  	_ =	shalt  }
0x6d: {  	_ =	shalt  }
0x6e: {  	_ =	shalt  }
0x6f: {  	_ =	shalt  }
0x70: {  	_ =	shalt  }
0x71: {  	_ =	shalt  }
0x72: {  	_ =	shalt  }
0x73: {  	_ =	shalt  }
0x74: {  	_ =	shalt  }
0x75: {  	_ =	shalt  }
0x76: {  	_ =	shalt  }
0x77: {  	_ =	shalt  }
0x78: {  	_ =	shalt  }
0x79: {  	_ =	shalt  }
0x7a: {  	_ =	shalt  }
0x7b: {  	_ =	shalt  }
0x7c: {  	_ =	shalt  }
0x7d: {  	_ =	shalt  }
0x7e: {  	_ =	shalt  }
0x7f: {  	_ =	shalt  }
0x80: {  	_ =	shalt  }
0x81: {  	_ =	shalt  }
0x82: {  	_ =	shalt  }
0x83: {  	_ =	shalt  }
0x84: {  	_ =	shalt  }
0x85: {  	_ =	shalt  }
0x86: {  	_ =	shalt  }
0x87: {  	_ =	shalt  }
.Lfunc_end0:
.L_simem_size_0:
called_computation.1_lowered:
.L_overlay_start_0:
0x88: {  	s2 =	sld [smem:$0x3FD9]  }
0x89: {  	s3 =	sld [smem:$0x3FFE];
	_ =	sdelay $0x1  }
0x8a: {  	s1 =	srdreg.scid  }
0x8b: {  	s0 =	sand.u32 $0x1, s1  }
0x8c: {  	s17 =	sshll.u32 s0, $0xA;
	s2 =	sadd.s32 s3, s2  }
0x8d: {  	s2 =	sadd.s32 s2, s17  }
0x8e: {  	[smem:$0x3FB1] =	sst s2  }
0x8f: {  	_ = 	snop  }
0x90: {  	s2 =	sld [smem:$0x3FD0];
	(tm) =	ssettm $0x1  }
0x91: {  	s18 =	sld [smem:$0x3FFB];
	_ =	sdelay $0x3  }
0x92: {  	_ =	strace s18  }
0x93: {  	s3 =	sld [smem:$0x3FFC];
	_ =	sdelay $0x3  }
0x94: {  	_ =	strace s3  }
0x95: {  	s3 =	sld [smem:$0x3FFD];
	_ =	sdelay $0x3  }
0x96: {  	_ =	strace s3  }
0x97: {  	_ =	strace $0x8FFFFFFF  }
0x98: {  	s19 =	sld [smem:$0x3FDB];
	_ =	sdelay $0x1  }
0x99: {  	s4 =	simm.s32 $_scs_section_size  }
0x9a: {  	s5 =	simm.s32 $_size__tile_overlayer_lowered;
	s6 =	simm.s32 $_tile_overlayer_lowered  }
0x9b: {  	s22 =	simm.s32 $0x1BFF;
	s21 =	sshll.u32 s6, $0x1;
	s3 =	sadd.s32 s4, s19  }
0x9c: {  	s7 =	simm.s32 $0x0;
	s20 =	sshll.u32 s5, $0x1;
	s5 =	sadd.s32 s21, s3  }
0x9d: {  	[timem:s7], [sflag:s22] =	dma.local [hbm:s5], s20  }
0x9e: {  	_ =	swait.ge [sflag:s22], s20  }
0x9f: {  	s4 =	ssub.s32 $0x0, s20;
	[sflag:s22] =	ssyncset.done $0x0  }
0xa0: {  	[sflag:s22] =	ssyncadd.s32 s4;
	_ =	sdelay $0x1  }
0xa1: {  	s23 =	simm.s32 $0x1B8B  }
0xa2: {  	_ =	swait.ge [sflag:s23], $0x1  }
0xa3: {  	[sflag:s23] =	ssyncset.done $0x0  }
0xa4: {  	s25 =	simm.s32 $0x1B8E;
	s24 =	sld [smem:$0x3FFE];
	[sflag:s23] =	ssyncadd.s32 $0xFFFFFFFF  }
0xa5: {  	s26 =	simm.s32 $execute0_lowered;
	[smem:$0x3FD2] =	sst s25  }
0xa6: {  	s5 =	sshll.u32 s26, $0x1;
	_ =	strace $0x80000049;
	[dreg:$0x1] =	wrdreg $0xFFFFFFFF  }
0xa7: {  	s28 =	simm.s32 $_size_execute0_lowered;
	s3 =	sadd.s32 s3, s5;
	[dreg:$0x0] =	wrdreg $0x0  }
0xa8: {  	s5 =	sshll.u32 s28, $0x1;
	[dreg:$0x2] =	wrdreg s3  }
0xa9: {  	[dreg:$0x3] =	wrdreg s5  }
0xaa: {  	[dreg:$0x4] =	wrdreg $0xC0  }
0xab: {  	_ =	task [dreg:s7], $0x5FFFF  }
0xac: {  	[dreg:$0x1] =	wrdreg $0xFFFFFFFF  }
0xad: {  	[dreg:$0x0] =	wrdreg $0x60  }
0xae: {  	[dreg:$0x2] =	wrdreg s24  }
0xaf: {  	[dreg:$0x3] =	wrdreg s2  }
0xb0: {  	[dreg:$0x4] =	wrdreg $0x9  }
0xb1: {  	_ =	task.clear_ibuf [dreg:s7], $0x5FFFF;
	_ =	strace $0x90000049  }
0xb2: {  	s29 =	simm.s32 $0x9;
	_ =	strace $0x8000004B  }
0xb3: {  	_ =	swait.ge [sflag:s29], $0x1  }
0xb4: {  	[sflag:s29] =	ssyncadd.s32 $0xFFFFFFFF  }
0xb5: {  	_ =	strace $0x9000004B  }
0xb6: {  	_ =	sfence  }
0xb7: {  	s30 =	sld [smem:$0x0];
	_ =	sdelay $0x2  }
0xb8: {  	s31 =	sshll.u32 s1, $0xD;
	s1 =	sshrl.u32 s1, $0x2  }
0xb9: {  	s3 =	sand.u32 $0x4000, s31;
	s1 =	sadd.s32 s1, s30  }
0xba: {  	s0 =	sor.u32 s3, s0;
	s1 =	sshll.u32 s1, $0x11  }
0xbb: {  	s0 =	sor.u32 s1, s0  }
0xbc: {  	s0 =	sadd.s32 $0x8F2B, s0  }
0xbd: {  	[sflag:s0] =	ssyncadd.remote.s32 $0x1  }
0xbe: {  	_ =	sfence.sel $0xFFFF  }
0xbf: {  	[dreg:$0x0] =	wrdreg $0xFFFFFFFF;
	(pc) =	sbr.abs _section_cstart, $3  }
0xc0: {  	[dreg:$0x1] =	wrdreg $0xFFFFFFFF  }
0xc1: {  	_ =	task.clear_ibuf [dreg:s7], $0x2FFFF;
	_ =	strace $0x9FFFFFFF  }
0xc2: {  	(tm) =	ssettm $0x7FFFFFFF  }
0xc3: {  	_ =	shalt  }
tec
execute0_lowered:
.L_overlay_start_1:
0x0: {  	(tag) =	ssettag $0x1  }
0x1: {  	s0 =	rddreg [dreg:$0x0];
	s2 =	simm.s32 $0x0  }
0x2: {  	[smem:$0x7FF] =	sst s2  }
0x3: {  	s11 =	rddreg [dreg:$0x1];
	v0 =	vimm.s32 $0x0;
	_ =	strace $0x8000004A  }
0x4: {  	(xrf1) =	vunique.msk.u32 $0xffff, v0;
	_ =	sdelay $0xd  }
0x5: {  	_, v0, _ =	vpop (xrf1)  }
0x6: {  	v0 =	vxor.u32 $0x80000000, v0  }
0x7: {  	(xrf0) =	vmin.scan.msk.u32 $0xffff, v0;
	_ =	sdelay $0x3  }
0x8: {  	s1 =	srdreg.scid;
	s4 =	stileid.u32;
	s28 =	simm.s32 $0x9D50  }
0x9: {  	s29 =	simm.s32 $0x9D60;
	s30 =	simm.s32 $0x9D70;
	s31 =	simm.s32 $0x9D80  }
0xa: {  	s1 =	sand.u32 $0x1, s1;
	s16 =	sadd.s32 $0x1E00, s0;
	s10 =	sadd.s32 $0x16800, s0;
	v0, _, _ =	vpop (xrf0)  }
0xb: {  	s5 =	sadd.s32 $0x11200, s0;
	s17 =	sadd.s32 $0x16200, s0;
	[dreg:$0x3] =	wrdreg s10;
	(v2sf) =	vpush v0, $0xF  }
0xc: {  	s7 =	sadd.s32 $0x16E00, s0;
	s21 =	sadd.s32 $0x2, s11;
	[dreg:$0x4] =	wrdreg s17  }
0xd: {  	s8 =	sadd.s32 $0x1BE00, s0;
	s22 =	sadd.s32 $0x4, s11;
	[dreg:$0x6] =	wrdreg s21  }
0xe: {  	s24 =	sadd.s32 $0x6, s11;
	s3 =	sshll.u32 s1, $0x4;
	[dreg:$0x7] =	wrdreg s22  }
0xf: {  	s1 =	ssub.s32 $0x2, s1;
	[dreg:$0x8] =	wrdreg s24;
	s3 =	sor.u32 s4, s3  }
0x10: {  	s24 =	simm.s32 $0x2720;
	s19 =	sshrl.u32 s1, $0x1;
	s6 =	smul.u32 $0x4E4, s3  }
0x11: {  	s4 =	simm.s32 $0x7F40;
	s9 =	smul.u32 $0x15F90, s3;
	s1 =	ssub.s32 s1, s19  }
0x12: {  	s3 =	smul.u32 $0x1390, s3;
	s22 =	smax.u32 s1, $0x1;
	s1 =	simm.s32 $0x7540  }
0x13: {  	s18 =	sadd.s32 s6, s0;
	s6 =	sadd.s32 $0x20E00, s0;
	s9 =	sshrl.u32 s9, $0x3  }
0x14: {  	s3 =	sshrl.u32 s3, $0x3;
	s0 =	sadd.s32 s9, s0;
	s20 =	sadd.s32 $0x6E00, s18  }
0x15: {  	s25 =	sadd.s32 s16, s3;
	s12 =	sadd.s32 s5, s3;
	s13 =	sadd.s32 s7, s3  }
0x16: {  	s26 =	sadd.s32 $0x140, s3;
	s14 =	sadd.s32 s8, s3;
	[dreg:$0x5] =	wrdreg s20  }
0x17: {  	s3 =	simm.s32 $0x187E0;
	[dreg:$0x9] =	wrdreg s25;
	s15 =	sadd.s32 s16, s26  }
0x18: {  	s16 =	sadd.s32 s5, s26;
	s17 =	sadd.s32 s7, s26;
	s18 =	sadd.s32 s8, s26  }
0x19: {  	s19 =	sadd.s32 $0x21E00, s0;
	s20 =	sadd.s32 $0x22CA6, s0;
	s21 =	sadd.s32 $0x23B4C, s0  }
0x1a: {  	s25 =	simm.s32 $0x4E30;
	s26 =	simm.s32 $0x9D40;
	s23 =	spop (v2sf)  }
0x1b: {  	s0 =	simm.s32 $0x112B0;
	s5 =	simm.s32 $0x8940;
	s9 =	sxor.u32 $0x80000000, s23  }
0x1c: {  	s7 =	simm.s32 $0x9340;
	s8 =	simm.s32 $0x0;
	s23 =	simm.s32 $0x1;
	v0 =	vmov s9  }
.LBB2_1:
0x1d: {  	s9 =	rddreg [dreg:$0x5]  }
0x1e: {  	[tilespmem:s2], [sflag:$0x1] =	stream.linear.gather [hbm4b:s9+s2], $0x2720, $0x38;
	[tilespmem:$0x1FD10] =	vst v63  }
0x1f: {  	_ =	swait.ge [sflag:s23], $0x2720  }
0x20: {  	[sflag:s23] =	ssyncset.done $0x0  }
0x21: {  	s10 =	rddreg [dreg:$0x3];
	[sflag:s23] =	ssyncadd.s32 $0xFFFFD8E0  }
0x22: {  	[tilespmem:s24], [sflag:$0x1] =	stream.linear.gather [hbm4b:s10+s2], $0x2710, $0x38;
	[tilespmem:$0x1FD10] =	vst v63  }
0x23: {  	_ =	swait.ge [sflag:s23], $0x2710  }
0x24: {  	[sflag:s23] =	ssyncset.done $0x0  }
0x25: {  	s11 =	rddreg [dreg:$0x4];
	[sflag:s23] =	ssyncadd.s32 $0xFFFFD8F0  }
0x26: {  	[tilespmem:s25], [sflag:$0x1] =	stream.linear.gather [hbm4b:s11+s2], $0x2710, $0x38;
	[tilespmem:$0x1FD10] =	vst v63  }
0x27: {  	_ =	swait.ge [sflag:s23], $0x2710  }
0x28: {  	[sflag:s23] =	ssyncset.done $0x0  }
0x29: {  	[sflag:s23] =	ssyncadd.s32 $0xFFFFD8F0  }
0x2a: {  	s10 =	rddreg [dreg:$0x1]  }
0x2b: {  	[tilespmem:s26], [sflag:$0x1] =	stream.linear.gather [hbm4b:s10+s2], $0x10, $0x38;
	[tilespmem:$0x1FD10] =	vst v63  }
0x2c: {  	_ =	swait.ge [sflag:s23], $0x10  }
0x2d: {  	[sflag:s23] =	ssyncset.done $0x0  }
0x2e: {  	s11 =	rddreg [dreg:$0x6];
	[sflag:s23] =	ssyncadd.s32 $0xFFFFFFF0  }
0x2f: {  	[tilespmem:s28], [sflag:$0x1] =	stream.linear.gather [hbm4b:s11+s2], $0x10, $0x38;
	[tilespmem:$0x1FD10] =	vst v63  }
0x30: {  	_ =	swait.ge [sflag:s23], $0x10  }
0x31: {  	[sflag:s23] =	ssyncset.done $0x0  }
0x32: {  	s10 =	rddreg [dreg:$0x7];
	[sflag:s23] =	ssyncadd.s32 $0xFFFFFFF0  }
0x33: {  	[tilespmem:s29], [sflag:$0x1] =	stream.linear.gather [hbm4b:s10+s2], $0x10, $0x38;
	[tilespmem:$0x1FD10] =	vst v63  }
0x34: {  	_ =	swait.ge [sflag:s23], $0x10  }
0x35: {  	[sflag:s23] =	ssyncset.done $0x0  }
0x36: {  	s11 =	rddreg [dreg:$0x8];
	[sflag:s23] =	ssyncadd.s32 $0xFFFFFFF0  }
0x37: {  	[tilespmem:s30], [sflag:$0x1] =	stream.linear.gather [hbm4b:s11+s2], $0x10, $0x38;
	[tilespmem:$0x1FD10] =	vst v63  }
0x38: {  	_ =	swait.ge [sflag:s23], $0x10  }
0x39: {  	[sflag:s23] =	ssyncset.done $0x0  }
0x3a: {  	[sflag:s23] =	ssyncadd.s32 $0xFFFFFFF0  }
0x3b: {  	[tilespmem:s31], [sflag:$0x1] =	stream.linear.gather [hbm4b:s6+s2], $0x7530, $0x38;
	[tilespmem:$0x1FD10] =	vst v63  }
0x3c: {  	_ =	swait.ge [sflag:s23], $0x7530  }
0x3d: {  	[sflag:s23] =	ssyncset.done $0x0  }
0x3e: {  	[sflag:s23] =	ssyncadd.s32 $0xFFFF8AD0  }
0x3f: {  	[tilespmem:s0], [sflag:$0x1] =	stream.linear.gather [hbm4b:s6+s2], $0x7530, $0x38;
	[tilespmem:$0x1FD10] =	vst v63  }
0x40: {  	_ =	swait.ge [sflag:s23], $0x7530  }
0x41: {  	[sflag:s23] =	ssyncset.done $0x0  }
0x42: {  	[sflag:s23] =	ssyncadd.s32 $0xFFFF8AD0  }
0x43: {  	[tilespmem:s3], [sflag:$0x1] =	stream.linear.gather [hbm4b:s6+s2], $0x7530, $0x38;
	[tilespmem:$0x1FD10] =	vst v63  }
0x44: {  	_ =	swait.ge [sflag:s23], $0x7530  }
0x45: {  	[sflag:s23] =	ssyncset.done $0x0  }
0x46: {  	s10 =	rddreg [dreg:$0x9];
	[sflag:s23] =	ssyncadd.s32 $0xFFFF8AD0  }
0x47: {  	[tilespmem:s1], [sflag:$0x1] =	stream.linear.gather [hbm4b:s10+s2], $0xA00, $0x38;
	[tilespmem:$0x1FD10] =	vst v63  }
0x48: {  	_ =	swait.ge [sflag:s23], $0xA00  }
0x49: {  	[sflag:s23] =	ssyncset.done $0x0  }
0x4a: {  	[sflag:s23] =	ssyncadd.s32 $0xFFFFF600  }
0x4b: {  	[tilespmem:s4], [sflag:$0x1] =	stream.linear.gather [hbm4b:s12+s2], $0xA00, $0x38;
	[tilespmem:$0x1FD10] =	vst v63  }
0x4c: {  	_ =	swait.ge [sflag:s23], $0xA00  }
0x4d: {  	[sflag:s23] =	ssyncset.done $0x0  }
0x4e: {  	[sflag:s23] =	ssyncadd.s32 $0xFFFFF600  }
0x4f: {  	[tilespmem:s5], [sflag:$0x1] =	stream.linear.gather [hbm4b:s13+s2], $0xA00, $0x38;
	[tilespmem:$0x1FD10] =	vst v63  }
0x50: {  	_ =	swait.ge [sflag:s23], $0xA00  }
0x51: {  	[sflag:s23] =	ssyncset.done $0x0  }
0x52: {  	[sflag:s23] =	ssyncadd.s32 $0xFFFFF600  }
0x53: {  	[tilespmem:s7], [sflag:$0x1] =	stream.linear.gather [hbm4b:s14+s2], $0xA00, $0x38;
	[tilespmem:$0x1FD10] =	vst v63  }
0x54: {  	_ =	swait.ge [sflag:s23], $0xA00  }
0x55: {  	[sflag:s23] =	ssyncset.done $0x0  }
0x56: {  	s11 =	simm.s32 $0x0;
	[sflag:s23] =	ssyncadd.s32 $0xFFFFF600  }
0x57: {  	v5 =	vld [tilespmem:s11+$0x7540];
	_ =	sdelay $0x4  }
0x58: {  	(xrf1) =	vunique.msk.u32 $0xffff, v5;
	_ =	sdelay $0xa  }
0x59: {  	v1 =	vld.idx.msk [tilespmem:v5+s2+$0x0], $0xffff;
	_ =	sdelay $0x2  }
0x5a: {  	_, v2, vm0 =	vpop (xrf1)  }
0x5b: {  	v2 =	vsub.s32 v2, v0  }
0x5c: {  	v6 =	vadd.s32 v1, v2  }
0x5d: {  	vm1 =	vlt.s32 v6, $0x2  }
0x5e: {  	v7 =	vnsel vm1, $0x2, v6  }
0x5f: {  	v4 =	vld [tilespmem:s11+$0x7F40];
	v8 =	vmul.u32 $0x3, v7;
	_ =	sdelay $0x1  }
0x60: {  	v1 =	vadd.s32 $0x1, v6  }
0x61: {  	[tilespmem:v5+s2+$0x0] =	vst.idx.msk vm0, v1  }
0x62: {  	v1 =	vld [tilespmem:s11+$0x8940]  }
0x63: {  	v2 =	vld [tilespmem:s11+$0x9340]  }
0x64: {  	v9 =	vld.idx.msk [tilespmem:v8+s26+$0x0], $0xffff  }
0x65: {  	v10 =	vld.idx.msk [tilespmem:v8+s28+$0x0], $0xffff  }
0x66: {  	v3 =	vld.idx.msk [tilespmem:v4+s24+$0x0], $0xffff  }
0x67: {  	v11 =	vld.idx.msk [tilespmem:v8+s29+$0x0], $0xffff  }
0x68: {  	v4 =	vld.idx.msk [tilespmem:v4+s25+$0x0], $0xffff  }
0x69: {  	vm0 =	vlt.s32 v6, $0x3;
	v6 =	vmul.u32 $0x2710, v7;
	v7 =	vld.idx.msk [tilespmem:v8+s30+$0x0], $0xffff  }
0x6a: {  	vm1 =	vlt.s32 v5, $0x2710;
	v9 =	vmul.f32 v9, v1;
	v10 =	vmul.f32 v10, v2  }
0x6b: {  	v12 =	vand.u32 $0xFFFFFFF8, v5;
	v62 =	vand.u32 $0x7, v5;
	vm0 =	vmand vm1, vm0  }
0x6c: {  	v6 =	vadd.s32 v12, v6;
	v9 =	vadd.f32 v10, v9;
	v10 =	vmul.f32 v11, v3  }
0x6d: {  	v5 =	vor.u32 v62, v6  }
0x6e: {  	v7 =	vmul.f32 v7, v4;
	v6 =	vadd.f32 v10, v9;
	v9 =	vadd.s32 $0x1, v8;
	_ =	sdelay $0x1  }
0x6f: {  	v6 =	vadd.f32 v7, v6;
	_ =	sdelay $0x1  }
0x70: {  	[tilespmem:v5+s31+$0x0] =	vst.idx.msk vm0, v6  }
0x71: {  	v7 =	vld.idx.msk [tilespmem:v9+s28+$0x0], $0xffff  }
0x72: {  	v6 =	vld.idx.msk [tilespmem:v9+s26+$0x0], $0xffff;
	_ =	sdelay $0x1  }
0x73: {  	v10 =	vld.idx.msk [tilespmem:v9+s29+$0x0], $0xffff;
	_ =	sdelay $0x1  }
0x74: {  	v63 =	vmul.f32 v7, v2;
	v7 =	vld.idx.msk [tilespmem:v9+s30+$0x0], $0xffff  }
0x75: {  	v11 =	vmul.f32 v6, v1;
	_ =	sdelay $0x1  }
0x76: {  	s9 =	simm.s32 $0x10;
	s10 =	simm.s32 $0x80;
	v6 =	vadd.s32 $0x2, v8;
	v9 =	vmul.f32 v10, v3;
	v8 =	vadd.f32 v63, v11  }
.LBB2_2:
0x77: {  	_ = 	snop  }
0x78: {  	p0 =	sne.s32 s10, $0x27C0;
	v7 =	vmul.f32 v7, v4;
	s11 =	smov.u32 s10;
	s10 =	sadd.s32 $0x40, s10;
	v8 =	vadd.f32 v9, v8  }
0x79: {  	_ = 	snop  }
0x7a: {  	v7 =	vadd.f32 v7, v8  }
0x7b: {  	s11 =	sshra.s32 s11, $0x2  }
0x7c: {  	[tilespmem:v5+s0+$0x0] =	vst.idx.msk vm0, v7  }
0x7d: {  	v7 =	vld.idx.msk [tilespmem:v6+s26+$0x0], $0xffff  }
0x7e: {  	v8 =	vld.idx.msk [tilespmem:v6+s28+$0x0], $0xffff  }
0x7f: {  	v9 =	vld.idx.msk [tilespmem:v6+s29+$0x0], $0xffff  }
0x80: {  	v6 =	vld.idx.msk [tilespmem:v6+s30+$0x0], $0xffff;
	_ =	sdelay $0x2  }
0x81: {  	v1 =	vmul.f32 v7, v1  }
0x82: {  	v2 =	vmul.f32 v8, v2  }
0x83: {  	v3 =	vmul.f32 v9, v3  }
0x84: {  	v1 =	vadd.f32 v2, v1;
	v2 =	vmul.f32 v6, v4;
	_ =	sdelay $0x1  }
0x85: {  	v1 =	vadd.f32 v3, v1;
	_ =	sdelay $0x1  }
0x86: {  	v1 =	vadd.f32 v2, v1;
	_ =	sdelay $0x1  }
0x87: {  	[tilespmem:v5+s3+$0x0] =	vst.idx.msk vm0, v1  }
0x88: {  	v5 =	vld [tilespmem:s9+$0x7540];
	_ =	sdelay $0x4  }
0x89: {  	(xrf1) =	vunique.msk.u32 $0xffff, v5;
	_ =	sdelay $0x9  }
0x8a: {  	v1 =	vld.idx.msk [tilespmem:v5+s2+$0x0], $0xffff;
	_ =	sdelay $0x3  }
0x8b: {  	_, v2, vm1 =	vpop (xrf1)  }
0x8c: {  	v2 =	vsub.s32 v2, v0  }
0x8d: {  	v4 =	vld [tilespmem:s9+$0x7F40];
	v1 =	vadd.s32 v1, v2  }
0x8e: {  	vm0 =	vlt.s32 v1, $0x3;
	vm2 =	vlt.s32 v1, $0x2  }
0x8f: {  	v2 =	vnsel vm2, $0x2, v1  }
0x90: {  	v7 =	vmul.u32 $0x3, v2;
	v2 =	vmul.u32 $0x2710, v2  }
0x91: {  	v3 =	vand.u32 $0xFFFFFFF8, v5;
	v1 =	vadd.s32 $0x1, v1  }
0x92: {  	[tilespmem:v5+s2+$0x0] =	vst.idx.msk vm1, v1;
	v8 =	vadd.s32 v3, v2;
	v6 =	vadd.s32 $0x2, v7  }
0x93: {  	v1 =	vld [tilespmem:s9+$0x8940]  }
0x94: {  	v2 =	vld [tilespmem:s9+$0x9340];
	s9 =	smov.u32 s11  }
0x95: {  	v3 =	vld.idx.msk [tilespmem:v4+s24+$0x0], $0xffff  }
0x96: {  	v9 =	vld.idx.msk [tilespmem:v7+s26+$0x0], $0xffff  }
0x97: {  	v10 =	vld.idx.msk [tilespmem:v7+s28+$0x0], $0xffff  }
0x98: {  	v4 =	vld.idx.msk [tilespmem:v4+s25+$0x0], $0xffff  }
0x99: {  	v11 =	vld.idx.msk [tilespmem:v7+s29+$0x0], $0xffff;
	_ =	sdelay $0x1  }
0x9a: {  	v12 =	vld.idx.msk [tilespmem:v7+s30+$0x0], $0xffff  }
0x9b: {  	v9 =	vmul.f32 v9, v1  }
0x9c: {  	v10 =	vmul.f32 v10, v2  }
0x9d: {  	v13 =	vand.u32 $0x7, v5;
	vm1 =	vlt.s32 v5, $0x2710  }
0x9e: {  	vm0 =	vmand vm1, vm0;
	v9 =	vadd.f32 v10, v9;
	v10 =	vmul.f32 v11, v3  }
0x9f: {  	v5 =	vor.u32 v13, v8  }
0xa0: {  	v7 =	vadd.s32 $0x1, v7;
	v8 =	vadd.f32 v10, v9;
	v9 =	vmul.f32 v12, v4;
	_ =	sdelay $0x1  }
0xa1: {  	v8 =	vadd.f32 v9, v8;
	_ =	sdelay $0x1  }
0xa2: {  	[tilespmem:v5+s31+$0x0] =	vst.idx.msk vm0, v8  }
0xa3: {  	v8 =	vld.idx.msk [tilespmem:v7+s26+$0x0], $0xffff  }
0xa4: {  	v9 =	vld.idx.msk [tilespmem:v7+s28+$0x0], $0xffff;
	_ =	sdelay $0x1  }
0xa5: {  	v10 =	vld.idx.msk [tilespmem:v7+s29+$0x0], $0xffff;
	_ =	sdelay $0x1  }
.Ltmp0:
0xa6: {  	v7 =	vld.idx.msk [tilespmem:v7+s30+$0x0], $0xffff;
	(pc) =	sbr.rel @p0 .LBB2_2-.Ltmp0, $3  }
0xa7: {  	v8 =	vmul.f32 v8, v1  }
0xa8: {  	v9 =	vmul.f32 v9, v2;
	_ =	sdelay $0x1  }
0xa9: {  	v8 =	vadd.f32 v9, v8;
	v9 =	vmul.f32 v10, v3  }
0xaa: {  	_ = 	snop  }
0xab: {  	v7 =	vmul.f32 v7, v4;
	v8 =	vadd.f32 v9, v8;
	_ =	sdelay $0x1  }
0xac: {  	v7 =	vadd.f32 v7, v8;
	_ =	sdelay $0x1  }
0xad: {  	[tilespmem:v5+s0+$0x0] =	vst.idx.msk vm0, v7  }
0xae: {  	v7 =	vld.idx.msk [tilespmem:v6+s26+$0x0], $0xffff  }
0xaf: {  	v8 =	vld.idx.msk [tilespmem:v6+s28+$0x0], $0xffff;
	_ =	sdelay $0x1  }
0xb0: {  	v9 =	vld.idx.msk [tilespmem:v6+s29+$0x0], $0xffff;
	_ =	sdelay $0x1  }
0xb1: {  	v6 =	vld.idx.msk [tilespmem:v6+s30+$0x0], $0xffff  }
0xb2: {  	v1 =	vmul.f32 v7, v1;
	v2 =	vmul.f32 v8, v2;
	_ =	sdelay $0x1  }
0xb3: {  	v3 =	vmul.f32 v9, v3;
	v1 =	vadd.f32 v2, v1;
	_ =	sdelay $0x1  }
0xb4: {  	v2 =	vmul.f32 v6, v4;
	v1 =	vadd.f32 v3, v1;
	_ =	sdelay $0x1  }
0xb5: {  	v1 =	vadd.f32 v2, v1;
	_ =	sdelay $0x1  }
0xb6: {  	[tilespmem:v5+s3+$0x0] =	vst.idx.msk vm0, v1  }
0xb7: {  	v1 =	vld [tilespmem:s9+$0x7540];
	_ =	sdelay $0x4  }
0xb8: {  	(xrf1) =	vunique.msk.u32 $0xffff, v1;
	_ =	sdelay $0xa  }
0xb9: {  	v2 =	vld.idx.msk [tilespmem:v1+s2+$0x0], $0xffff;
	_ =	sdelay $0x2  }
0xba: {  	_, v3, vm0 =	vpop (xrf1)  }
0xbb: {  	v3 =	vsub.s32 v3, v0  }
0xbc: {  	v2 =	vadd.s32 v2, v3  }
0xbd: {  	vm1 =	vlt.s32 v2, $0x2  }
0xbe: {  	v3 =	vnsel vm1, $0x2, v2  }
0xbf: {  	v4 =	vld [tilespmem:s9+$0x7F40];
	v5 =	vmul.u32 $0x3, v3;
	_ =	sdelay $0x1  }
0xc0: {  	v6 =	vadd.s32 $0x1, v2  }
0xc1: {  	[tilespmem:v1+s2+$0x0] =	vst.idx.msk vm0, v6  }
0xc2: {  	v6 =	vld [tilespmem:s9+$0x8940]  }
0xc3: {  	v7 =	vld [tilespmem:s9+$0x9340]  }
0xc4: {  	v8 =	vld.idx.msk [tilespmem:v5+s26+$0x0], $0xffff  }
0xc5: {  	v9 =	vld.idx.msk [tilespmem:v5+s28+$0x0], $0xffff  }
0xc6: {  	v10 =	vld.idx.msk [tilespmem:v4+s24+$0x0], $0xffff  }
0xc7: {  	v11 =	vld.idx.msk [tilespmem:v5+s29+$0x0], $0xffff  }
0xc8: {  	v4 =	vld.idx.msk [tilespmem:v4+s25+$0x0], $0xffff  }
0xc9: {  	vm0 =	vlt.s32 v2, $0x3;
	v2 =	vmul.u32 $0x2710, v3;
	v3 =	vld.idx.msk [tilespmem:v5+s30+$0x0], $0xffff  }
0xca: {  	vm1 =	vlt.s32 v1, $0x2710;
	v8 =	vmul.f32 v8, v6;
	v9 =	vmul.f32 v9, v7  }
0xcb: {  	v12 =	vand.u32 $0xFFFFFFF8, v1;
	v60 =	vand.u32 $0x7, v1;
	vm0 =	vmand vm1, vm0  }
0xcc: {  	v2 =	vadd.s32 v12, v2;
	v1 =	vadd.f32 v9, v8;
	v8 =	vmul.f32 v11, v10  }
0xcd: {  	v2 =	vor.u32 v60, v2  }
0xce: {  	v3 =	vmul.f32 v3, v4;
	v1 =	vadd.f32 v8, v1;
	v8 =	vadd.s32 $0x1, v5;
	_ =	sdelay $0x1  }
0xcf: {  	v1 =	vadd.f32 v3, v1;
	_ =	sdelay $0x1  }
0xd0: {  	[tilespmem:v2+s31+$0x0] =	vst.idx.msk vm0, v1  }
0xd1: {  	v1 =	vld.idx.msk [tilespmem:v8+s26+$0x0], $0xffff  }
0xd2: {  	v3 =	vld.idx.msk [tilespmem:v8+s28+$0x0], $0xffff;
	_ =	sdelay $0x1  }
0xd3: {  	v9 =	vld.idx.msk [tilespmem:v8+s29+$0x0], $0xffff;
	_ =	sdelay $0x1  }
0xd4: {  	v8 =	vld.idx.msk [tilespmem:v8+s30+$0x0], $0xffff  }
0xd5: {  	v1 =	vmul.f32 v1, v6;
	v3 =	vmul.f32 v3, v7;
	_ =	sdelay $0x1  }
0xd6: {  	v1 =	vadd.f32 v3, v1;
	v3 =	vmul.f32 v9, v10;
	_ =	sdelay $0x1  }
0xd7: {  	v5 =	vadd.s32 $0x2, v5;
	v1 =	vadd.f32 v3, v1;
	v3 =	vmul.f32 v8, v4;
	_ =	sdelay $0x1  }
0xd8: {  	v1 =	vadd.f32 v3, v1;
	_ =	sdelay $0x1  }
0xd9: {  	[tilespmem:v2+s0+$0x0] =	vst.idx.msk vm0, v1  }
0xda: {  	v1 =	vld.idx.msk [tilespmem:v5+s26+$0x0], $0xffff  }
0xdb: {  	v3 =	vld.idx.msk [tilespmem:v5+s28+$0x0], $0xffff;
	_ =	sdelay $0x1  }
0xdc: {  	v8 =	vld.idx.msk [tilespmem:v5+s29+$0x0], $0xffff;
	_ =	sdelay $0x1  }
0xdd: {  	v5 =	vld.idx.msk [tilespmem:v5+s30+$0x0], $0xffff  }
0xde: {  	v1 =	vmul.f32 v1, v6;
	v3 =	vmul.f32 v3, v7;
	_ =	sdelay $0x1  }
0xdf: {  	v6 =	vmul.f32 v8, v10;
	v1 =	vadd.f32 v3, v1;
	_ =	sdelay $0x1  }
0xe0: {  	v3 =	vmul.f32 v5, v4;
	v1 =	vadd.f32 v6, v1;
	_ =	sdelay $0x1  }
0xe1: {  	v1 =	vadd.f32 v3, v1;
	_ =	sdelay $0x1  }
0xe2: {  	s10 =	simm.s32 $0x0;
	[tilespmem:v2+s3+$0x0] =	vst.idx.msk vm0, v1  }
0xe3: {  	[tilespmem:s1], [sflag:$0x1] =	stream.linear.gather [hbm4b:s15+s10], $0x990, $0x38;
	[tilespmem:$0x1FD10] =	vst v63  }
0xe4: {  	_ =	swait.ge [sflag:s23], $0x990  }
0xe5: {  	[sflag:s23] =	ssyncset.done $0x0  }
0xe6: {  	[sflag:s23] =	ssyncadd.s32 $0xFFFFF670  }
0xe7: {  	[tilespmem:s4], [sflag:$0x1] =	stream.linear.gather [hbm4b:s16+s10], $0x990, $0x38;
	[tilespmem:$0x1FD10] =	vst v63  }
0xe8: {  	_ =	swait.ge [sflag:s23], $0x990  }
0xe9: {  	[sflag:s23] =	ssyncset.done $0x0  }
0xea: {  	[sflag:s23] =	ssyncadd.s32 $0xFFFFF670  }
0xeb: {  	[tilespmem:s5], [sflag:$0x1] =	stream.linear.gather [hbm4b:s17+s10], $0x990, $0x38;
	[tilespmem:$0x1FD10] =	vst v63  }
0xec: {  	_ =	swait.ge [sflag:s23], $0x990  }
0xed: {  	[sflag:s23] =	ssyncset.done $0x0  }
0xee: {  	[sflag:s23] =	ssyncadd.s32 $0xFFFFF670  }
0xef: {  	[tilespmem:s7], [sflag:$0x1] =	stream.linear.gather [hbm4b:s18+s10], $0x990, $0x38;
	[tilespmem:$0x1FD10] =	vst v63  }
0xf0: {  	_ =	swait.ge [sflag:s23], $0x990  }
0xf1: {  	[sflag:s23] =	ssyncset.done $0x0  }
0xf2: {  	s11 =	simm.s32 $0x0;
	[sflag:s23] =	ssyncadd.s32 $0xFFFFF670  }
0xf3: {  	v5 =	vld [tilespmem:s11+$0x7540];
	_ =	sdelay $0x4  }
0xf4: {  	(xrf1) =	vunique.msk.u32 $0xffff, v5;
	_ =	sdelay $0xa  }
0xf5: {  	v1 =	vld.idx.msk [tilespmem:v5+s2+$0x0], $0xffff;
	_ =	sdelay $0x2  }
0xf6: {  	_, v2, vm0 =	vpop (xrf1)  }
0xf7: {  	v2 =	vsub.s32 v2, v0  }
0xf8: {  	v6 =	vadd.s32 v1, v2  }
0xf9: {  	vm1 =	vlt.s32 v6, $0x2  }
0xfa: {  	v7 =	vnsel vm1, $0x2, v6  }
0xfb: {  	v4 =	vld [tilespmem:s11+$0x7F40];
	v8 =	vmul.u32 $0x3, v7;
	_ =	sdelay $0x1  }
0xfc: {  	v1 =	vadd.s32 $0x1, v6  }
0xfd: {  	[tilespmem:v5+s2+$0x0] =	vst.idx.msk vm0, v1  }
0xfe: {  	v1 =	vld [tilespmem:s11+$0x8940]  }
0xff: {  	v2 =	vld [tilespmem:s11+$0x9340]  }
0x100: {  	v9 =	vld.idx.msk [tilespmem:v8+s26+$0x0], $0xffff  }
0x101: {  	v10 =	vld.idx.msk [tilespmem:v8+s28+$0x0], $0xffff  }
0x102: {  	v3 =	vld.idx.msk [tilespmem:v4+s24+$0x0], $0xffff  }
0x103: {  	v11 =	vld.idx.msk [tilespmem:v8+s29+$0x0], $0xffff  }
0x104: {  	v4 =	vld.idx.msk [tilespmem:v4+s25+$0x0], $0xffff  }
0x105: {  	vm0 =	vlt.s32 v6, $0x3;
	v6 =	vmul.u32 $0x2710, v7;
	v7 =	vld.idx.msk [tilespmem:v8+s30+$0x0], $0xffff  }
0x106: {  	vm1 =	vlt.s32 v5, $0x2710;
	v9 =	vmul.f32 v9, v1;
	v10 =	vmul.f32 v10, v2  }
0x107: {  	v61 =	vand.u32 $0xFFFFFFF8, v5;
	v62 =	vand.u32 $0x7, v5;
	vm0 =	vmand vm1, vm0  }
0x108: {  	v6 =	vadd.s32 v61, v6;
	v9 =	vadd.f32 v10, v9;
	v10 =	vmul.f32 v11, v3  }
0x109: {  	v5 =	vor.u32 v62, v6  }
0x10a: {  	v7 =	vmul.f32 v7, v4;
	v6 =	vadd.f32 v10, v9;
	v9 =	vadd.s32 $0x1, v8;
	_ =	sdelay $0x1  }
0x10b: {  	v6 =	vadd.f32 v7, v6;
	_ =	sdelay $0x1  }
0x10c: {  	[tilespmem:v5+s31+$0x0] =	vst.idx.msk vm0, v6  }
0x10d: {  	v7 =	vld.idx.msk [tilespmem:v9+s28+$0x0], $0xffff  }
0x10e: {  	v6 =	vld.idx.msk [tilespmem:v9+s26+$0x0], $0xffff;
	_ =	sdelay $0x1  }
0x10f: {  	v10 =	vld.idx.msk [tilespmem:v9+s29+$0x0], $0xffff;
	_ =	sdelay $0x1  }
0x110: {  	v63 =	vmul.f32 v7, v2;
	v7 =	vld.idx.msk [tilespmem:v9+s30+$0x0], $0xffff  }
0x111: {  	v11 =	vmul.f32 v6, v1;
	_ =	sdelay $0x1  }
0x112: {  	s9 =	simm.s32 $0x10;
	s10 =	simm.s32 $0x80;
	v6 =	vadd.s32 $0x2, v8;
	v9 =	vmul.f32 v10, v3;
	v8 =	vadd.f32 v63, v11  }
.LBB2_4:
0x113: {  	_ = 	snop  }
0x114: {  	p0 =	sne.s32 s10, $0x2600;
	v7 =	vmul.f32 v7, v4;
	s11 =	smov.u32 s10;
	s10 =	sadd.s32 $0x40, s10;
	v8 =	vadd.f32 v9, v8  }
0x115: {  	_ = 	snop  }
0x116: {  	v7 =	vadd.f32 v7, v8  }
0x117: {  	s11 =	sshra.s32 s11, $0x2  }
0x118: {  	[tilespmem:v5+s0+$0x0] =	vst.idx.msk vm0, v7  }
0x119: {  	v7 =	vld.idx.msk [tilespmem:v6+s26+$0x0], $0xffff  }
0x11a: {  	v8 =	vld.idx.msk [tilespmem:v6+s28+$0x0], $0xffff  }
0x11b: {  	v9 =	vld.idx.msk [tilespmem:v6+s29+$0x0], $0xffff  }
0x11c: {  	v6 =	vld.idx.msk [tilespmem:v6+s30+$0x0], $0xffff;
	_ =	sdelay $0x2  }
0x11d: {  	v1 =	vmul.f32 v7, v1  }
0x11e: {  	v2 =	vmul.f32 v8, v2  }
0x11f: {  	v3 =	vmul.f32 v9, v3  }
0x120: {  	v1 =	vadd.f32 v2, v1;
	v2 =	vmul.f32 v6, v4;
	_ =	sdelay $0x1  }
0x121: {  	v1 =	vadd.f32 v3, v1;
	_ =	sdelay $0x1  }
0x122: {  	v1 =	vadd.f32 v2, v1;
	_ =	sdelay $0x1  }
0x123: {  	[tilespmem:v5+s3+$0x0] =	vst.idx.msk vm0, v1  }
0x124: {  	v5 =	vld [tilespmem:s9+$0x7540];
	_ =	sdelay $0x4  }
0x125: {  	(xrf1) =	vunique.msk.u32 $0xffff, v5;
	_ =	sdelay $0x9  }
0x126: {  	v1 =	vld.idx.msk [tilespmem:v5+s2+$0x0], $0xffff;
	_ =	sdelay $0x3  }
0x127: {  	_, v2, vm1 =	vpop (xrf1)  }
0x128: {  	v2 =	vsub.s32 v2, v0  }
0x129: {  	v4 =	vld [tilespmem:s9+$0x7F40];
	v1 =	vadd.s32 v1, v2  }
0x12a: {  	vm0 =	vlt.s32 v1, $0x3;
	vm2 =	vlt.s32 v1, $0x2  }
0x12b: {  	v2 =	vnsel vm2, $0x2, v1  }
0x12c: {  	v7 =	vmul.u32 $0x3, v2;
	v2 =	vmul.u32 $0x2710, v2  }
0x12d: {  	v3 =	vand.u32 $0xFFFFFFF8, v5;
	v1 =	vadd.s32 $0x1, v1  }
0x12e: {  	[tilespmem:v5+s2+$0x0] =	vst.idx.msk vm1, v1;
	v8 =	vadd.s32 v3, v2;
	v6 =	vadd.s32 $0x2, v7  }
0x12f: {  	v1 =	vld [tilespmem:s9+$0x8940]  }
0x130: {  	v2 =	vld [tilespmem:s9+$0x9340];
	s9 =	smov.u32 s11  }
0x131: {  	v3 =	vld.idx.msk [tilespmem:v4+s24+$0x0], $0xffff  }
0x132: {  	v9 =	vld.idx.msk [tilespmem:v7+s26+$0x0], $0xffff  }
0x133: {  	v10 =	vld.idx.msk [tilespmem:v7+s28+$0x0], $0xffff  }
0x134: {  	v4 =	vld.idx.msk [tilespmem:v4+s25+$0x0], $0xffff  }
0x135: {  	v11 =	vld.idx.msk [tilespmem:v7+s29+$0x0], $0xffff;
	_ =	sdelay $0x1  }
0x136: {  	v12 =	vld.idx.msk [tilespmem:v7+s30+$0x0], $0xffff  }
0x137: {  	v9 =	vmul.f32 v9, v1  }
0x138: {  	v10 =	vmul.f32 v10, v2  }
0x139: {  	v13 =	vand.u32 $0x7, v5;
	vm1 =	vlt.s32 v5, $0x2710  }
0x13a: {  	vm0 =	vmand vm1, vm0;
	v9 =	vadd.f32 v10, v9;
	v10 =	vmul.f32 v11, v3  }
0x13b: {  	v5 =	vor.u32 v13, v8  }
0x13c: {  	v7 =	vadd.s32 $0x1, v7;
	v8 =	vadd.f32 v10, v9;
	v9 =	vmul.f32 v12, v4;
	_ =	sdelay $0x1  }
0x13d: {  	v8 =	vadd.f32 v9, v8;
	_ =	sdelay $0x1  }
0x13e: {  	[tilespmem:v5+s31+$0x0] =	vst.idx.msk vm0, v8  }
0x13f: {  	v8 =	vld.idx.msk [tilespmem:v7+s26+$0x0], $0xffff  }
0x140: {  	v9 =	vld.idx.msk [tilespmem:v7+s28+$0x0], $0xffff;
	_ =	sdelay $0x1  }
0x141: {  	v10 =	vld.idx.msk [tilespmem:v7+s29+$0x0], $0xffff;
	_ =	sdelay $0x1  }
.Ltmp1:
0x142: {  	v7 =	vld.idx.msk [tilespmem:v7+s30+$0x0], $0xffff;
	(pc) =	sbr.rel @p0 .LBB2_4-.Ltmp1, $3  }
0x143: {  	v8 =	vmul.f32 v8, v1  }
0x144: {  	v9 =	vmul.f32 v9, v2;
	_ =	sdelay $0x1  }
0x145: {  	v8 =	vadd.f32 v9, v8;
	v9 =	vmul.f32 v10, v3  }
0x146: {  	_ = 	snop  }
0x147: {  	v7 =	vmul.f32 v7, v4;
	v8 =	vadd.f32 v9, v8;
	_ =	sdelay $0x1  }
0x148: {  	v7 =	vadd.f32 v7, v8;
	_ =	sdelay $0x1  }
0x149: {  	[tilespmem:v5+s0+$0x0] =	vst.idx.msk vm0, v7  }
0x14a: {  	v7 =	vld.idx.msk [tilespmem:v6+s26+$0x0], $0xffff  }
0x14b: {  	v49 =	vld.idx.msk [tilespmem:v6+s28+$0x0], $0xffff;
	_ =	sdelay $0x1  }
0x14c: {  	v50 =	vld.idx.msk [tilespmem:v6+s29+$0x0], $0xffff;
	_ =	sdelay $0x1  }
0x14d: {  	v51 =	vld.idx.msk [tilespmem:v6+s30+$0x0], $0xffff  }
0x14e: {  	v1 =	vmul.f32 v7, v1;
	v2 =	vmul.f32 v49, v2;
	_ =	sdelay $0x1  }
0x14f: {  	v3 =	vmul.f32 v50, v3;
	v1 =	vadd.f32 v2, v1;
	_ =	sdelay $0x1  }
0x150: {  	v2 =	vmul.f32 v51, v4;
	v1 =	vadd.f32 v3, v1;
	_ =	sdelay $0x1  }
0x151: {  	v1 =	vadd.f32 v2, v1;
	_ =	sdelay $0x1  }
0x152: {  	[tilespmem:v5+s3+$0x0] =	vst.idx.msk vm0, v1  }
0x153: {  	v1 =	vld [tilespmem:s9+$0x7540];
	_ =	sdelay $0x4  }
0x154: {  	(xrf1) =	vunique.msk.u32 $0xffff, v1;
	_ =	sdelay $0xa  }
0x155: {  	v2 =	vld.idx.msk [tilespmem:v1+s2+$0x0], $0xffff;
	_ =	sdelay $0x2  }
0x156: {  	_, v3, vm13 =	vpop (xrf1)  }
0x157: {  	v3 =	vsub.s32 v3, v0  }
0x158: {  	v2 =	vadd.s32 v2, v3  }
0x159: {  	vm1 =	vlt.s32 v2, $0x2  }
0x15a: {  	v3 =	vnsel vm1, $0x2, v2  }
0x15b: {  	v52 =	vld [tilespmem:s9+$0x7F40];
	v53 =	vmul.u32 $0x3, v3;
	_ =	sdelay $0x1  }
0x15c: {  	v54 =	vadd.s32 $0x1, v2  }
0x15d: {  	[tilespmem:v1+s2+$0x0] =	vst.idx.msk vm13, v54  }
0x15e: {  	v6 =	vld [tilespmem:s9+$0x8940]  }
0x15f: {  	v55 =	vld [tilespmem:s9+$0x9340]  }
0x160: {  	v56 =	vld.idx.msk [tilespmem:v53+s26+$0x0], $0xffff  }
0x161: {  	v57 =	vld.idx.msk [tilespmem:v53+s28+$0x0], $0xffff  }
0x162: {  	v10 =	vld.idx.msk [tilespmem:v52+s24+$0x0], $0xffff  }
0x163: {  	v11 =	vld.idx.msk [tilespmem:v53+s29+$0x0], $0xffff  }
0x164: {  	v4 =	vld.idx.msk [tilespmem:v52+s25+$0x0], $0xffff  }
0x165: {  	vm14 =	vlt.s32 v2, $0x3;
	v2 =	vmul.u32 $0x2710, v3;
	v3 =	vld.idx.msk [tilespmem:v53+s30+$0x0], $0xffff  }
0x166: {  	vm15 =	vlt.s32 v1, $0x2710;
	v8 =	vmul.f32 v56, v6;
	v9 =	vmul.f32 v57, v55  }
0x167: {  	v12 =	vand.u32 $0xFFFFFFF8, v1;
	v58 =	vand.u32 $0x7, v1;
	vm0 =	vmand vm15, vm14  }
0x168: {  	v2 =	vadd.s32 v12, v2;
	v59 =	vmul.f32 v11, v10;
	v1 =	vadd.f32 v9, v8  }
0x169: {  	v2 =	vor.u32 v58, v2  }
0x16a: {  	v60 =	vadd.s32 $0x1, v53;
	v3 =	vmul.f32 v3, v4;
	v1 =	vadd.f32 v59, v1;
	_ =	sdelay $0x1  }
0x16b: {  	v1 =	vadd.f32 v3, v1;
	_ =	sdelay $0x1  }
0x16c: {  	[tilespmem:v2+s31+$0x0] =	vst.idx.msk vm0, v1  }
0x16d: {  	v1 =	vld.idx.msk [tilespmem:v60+s26+$0x0], $0xffff  }
0x16e: {  	v3 =	vld.idx.msk [tilespmem:v60+s28+$0x0], $0xffff;
	_ =	sdelay $0x1  }
0x16f: {  	v61 =	vld.idx.msk [tilespmem:v60+s29+$0x0], $0xffff;
	_ =	sdelay $0x1  }
0x170: {  	v8 =	vld.idx.msk [tilespmem:v60+s30+$0x0], $0xffff  }
0x171: {  	v1 =	vmul.f32 v1, v6;
	v3 =	vmul.f32 v3, v55;
	_ =	sdelay $0x1  }
0x172: {  	v1 =	vadd.f32 v3, v1;
	v3 =	vmul.f32 v61, v10;
	_ =	sdelay $0x1  }
0x173: {  	v5 =	vadd.s32 $0x2, v53;
	v1 =	vadd.f32 v3, v1;
	v3 =	vmul.f32 v8, v4;
	_ =	sdelay $0x1  }
0x174: {  	v1 =	vadd.f32 v3, v1;
	_ =	sdelay $0x1  }
0x175: {  	[tilespmem:v2+s0+$0x0] =	vst.idx.msk vm0, v1  }
0x176: {  	v1 =	vld.idx.msk [tilespmem:v5+s26+$0x0], $0xffff  }
0x177: {  	v3 =	vld.idx.msk [tilespmem:v5+s28+$0x0], $0xffff;
	_ =	sdelay $0x1  }
0x178: {  	v62 =	vld.idx.msk [tilespmem:v5+s29+$0x0], $0xffff;
	_ =	sdelay $0x1  }
0x179: {  	v5 =	vld.idx.msk [tilespmem:v5+s30+$0x0], $0xffff  }
0x17a: {  	v1 =	vmul.f32 v1, v6;
	v3 =	vmul.f32 v3, v55;
	_ =	sdelay $0x1  }
0x17b: {  	v63 =	vmul.f32 v62, v10;
	v1 =	vadd.f32 v3, v1;
	_ =	sdelay $0x1  }
0x17c: {  	v3 =	vmul.f32 v5, v4;
	v1 =	vadd.f32 v63, v1;
	_ =	sdelay $0x1  }
0x17d: {  	v1 =	vadd.f32 v3, v1;
	_ =	sdelay $0x1  }
0x17e: {  	[tilespmem:v2+s3+$0x0] =	vst.idx.msk vm0, v1  }
0x17f: {  	[hbm4b:s19+s2] =	stream.linear.scatter [tilespmem:s31], [sflag:$0x1], $0x7530, $0x38;
	[tilespmem:$0x1FD10] =	vst v63  }
0x180: {  	_ =	swait.ge [sflag:s23], $0x7530  }
0x181: {  	[sflag:s23] =	ssyncset.done $0x0  }
0x182: {  	[sflag:s23] =	ssyncadd.s32 $0xFFFF8AD0  }
0x183: {  	[hbm4b:s20+s2] =	stream.linear.scatter [tilespmem:s0], [sflag:$0x1], $0x7530, $0x38;
	[tilespmem:$0x1FD10] =	vst v63  }
0x184: {  	s8 =	sadd.s32 $0x1, s8;
	_ =	swait.ge [sflag:s23], $0x7530  }
0x185: {  	p0 =	sne.s32 s8, s22;
	[sflag:s23] =	ssyncset.done $0x0  }
.Ltmp2:
0x186: {  	[sflag:s23] =	ssyncadd.s32 $0xFFFF8AD0;
	(pc) =	sbr.rel @p0 .LBB2_1-.Ltmp2, $4  }
0x187: {  	[hbm4b:s21+s2] =	stream.linear.scatter [tilespmem:s3], [sflag:$0x1], $0x7530, $0x38;
	[tilespmem:$0x1FD10] =	vst v63  }
0x188: {  	_ =	swait.ge [sflag:s23], $0x7530  }
0x189: {  	[sflag:s23] =	ssyncset.done $0x0  }
0x18a: {  	[sflag:s23] =	ssyncadd.s32 $0xFFFF8AD0  }
0x18b: {  	_ =	sfence.sel $0x180000  }
0x18c: {  	[bflag:$0x0] =	sbarrier.arrive $0xFFFF  }
0x18d: {  	_ =	strace $0x9000004A  }
0x18e: {  	s0 =	stileid.u32;
	[bflag:$0x2] =	sbarrier.arrive $0xFFFF  }
0x18f: {  	p0 =	sne.s32 s0, $0x0;
	s0 =	rddreg [dreg:$0x2]  }
0x190: {  	s0 =	sadd.s32 @!p0 $0x100000, s0  }
0x191: {  	[sflag:s0] =	ssyncadd.tile.s32 @!p0 $0x1;
	_ =	shalt  }
.Lfunc_end2:
_tile_overlayer_lowered:
.L_overlay_start_2:
0x192: {  	(tag) =	ssettag $0x2  }
0x193: {  	s0 =	rddreg [dreg:$0x0];
	s2 =	stileid.u32  }
0x194: {  	s1 =	rddreg [dreg:$0x1];
	p0 =	sne.s32 s2, $0x0  }
0x195: {  	s3 =	rddreg [dreg:$0x2];
	[bflag:$0x3] =	sbarrier.arrive $0xFFFF;
	s2 =	simm.s32 @!p0 $0x1C01  }
0x196: {  	[timem:s3], [sflag:s2] =	dma.local @!p0 [hbm:s0], s1  }
0x197: {  	s0 =	simm.s32 @!p0 $0x1  }
0x198: {  	_ =	swait.ge @!p0 [sflag:s0], s1  }
0x199: {  	s1 =	ssub.s32 @!p0 $0x0, s1;
	[sflag:s0] =	ssyncset.done @!p0 $0x0  }
0x19a: {  	[sflag:s0] =	ssyncadd.s32 @!p0 s1  }
0x19b: {  	[bflag:$0x3] =	sbarrier.arrive $0xFFFF  }
0x19c: {  	_ =	shalt  }

// kernel: kernel.7.cloned.1.call-start
scs
__scs_entry_jumppad:
0x0: {  	(pc) =	sbr.rel $0x88, $3  }
0x1: {  	(tag) =	ssettag $0x0;
	lr =	simm.s32 $0x1  }
0x2: {  	[smem:$0x3F8A] =	sst lr;
	_ =	strace $0xD0000000  }
0x3: {  	_ = 	snop  }
0x4: {  	_ = 	snop  }
0x5: {  	_ = 	snop  }
0x6: {  	_ = 	snop  }
0x7: {  	_ = 	snop  }
__scs_overlays_trampoline_lowered:
0x8: {  	[smem:$0x3F99] =	sst s0  }
0x9: {  	[smem:$0x3F9A] =	sst s1  }
0xa: {  	[smem:$0x3F9B] =	sst s2  }
0xb: {  	[smem:$0x3F9C] =	sst s3  }
0xc: {  	[smem:$0x3F9D] =	sst s4  }
0xd: {  	[smem:$0x3F9E] =	sst s5  }
0xe: {  	[smem:$0x3F9F] =	sst s6  }
0xf: {  	[smem:$0x3FA0] =	sst s7  }
0x10: {  	[smem:$0x3FA1] =	sst s8  }
0x11: {  	[smem:$0x3FA2] =	sst s9;
	s0 =	simm.s32 @!p0 $0x0  }
0x12: {  	s1 =	sld [smem:$0x3F88];
	s0 =	simm.s32 @p0 $0x1  }
0x13: {  	[smem:$0x3FA3] =	sst s0;
	s0 =	simm.s32 @!p1 $0x0  }
0x14: {  	s2 =	sld [smem:$0x3F87];
	s0 =	simm.s32 @p1 $0x1  }
0x15: {  	[smem:$0x3FA4] =	sst s0;
	s0 =	simm.s32 @!p2 $0x0  }
0x16: {  	s3 =	sld [smem:$0x3FDB];
	s0 =	simm.s32 @p2 $0x1  }
0x17: {  	s4 =	simm.s32 $0x1BF5;
	[smem:$0x3FA6] =	sst s0  }
0x18: {  	s0 =	sld [smem:$0x3F89];
	_ =	swait.ge [sflag:s4], $0x0  }
0x19: {  	s7 =	sld [smem:$0x3F8A]  }
0x1a: {  	s8 =	sadd.s32 $0xFFFFE003, lr  }
0x1b: {  	s9 =	sadd.s32 $0xFFFFFEF7, lr;
	s5 =	simm.s32 $0xFFFFFFFF;
	p2 =	slt.u32 s8, $0xFFFFF086  }
0x1c: {  	p1 =	slt.u32 s9, $0xF7A;
	s5 =	simm.s32 @!p2 $0x0  }
0x1d: {  	s5 =	simm.s32 @p1 $0x1;
	p0 =	seq.s32 s7, s2  }
0x1e: {  	s7 =	smul.u32 @!p0 $0xF7A, s2;
	p2 =	seq.s32 @!p0 s5, $0x0  }
0x1f: {  	s9 =	smul.u32 $0xF7A, s1;
	s8 =	simm.s32 @!p0 $0x1BF5;
	p2 =	por !p2, p0  }
0x20: {  	[sflag:s8] =	ssyncset.s32 @!p0 $0xFFFFF086;
	s6 =	sadd.s32 @!p0 s3, s7;
	s7 =	simm.s32 @!p0 $0x108  }
0x21: {  	s3 =	sadd.s32 s3, s9;
	s6 =	sadd.s32 @!p0 $0x88, s6;
	s7 =	simm.s32 @p2 $0x1082  }
0x22: {  	[simem:s7], [sflag:s8] =	dma.local @!p0 [hbm:s6], $0xF7A  }
0x23: {  	s9 =	sor.u32 $0xD0000000, s2;
	s6 =	simm.s32 $0x108;
	_ =	swait.ge @!p0 [sflag:s8], $0x0  }
0x24: {  	s3 =	sadd.s32 $0x88, s3;
	s6 =	simm.s32 @!p1 $0x1082;
	[sflag:s4] =	ssyncset.s32 $0xFFFFF086  }
0x25: {  	[simem:s6], [sflag:s4] =	dma.local [hbm:s3], $0xF7A  }
0x26: {  	[smem:$0x3F8A] =	sst s1;
	(tag) =	ssettag s2;
	_ =	strace s9  }
0x27: {  	s1 =	sld [smem:$0x3F9A]  }
0x28: {  	s2 =	sld [smem:$0x3F9B]  }
0x29: {  	s4 =	sld [smem:$0x3F9D]  }
0x2a: {  	p0 =	seq.s32 s5, $0x0;
	s5 =	sld [smem:$0x3F9E]  }
0x2b: {  	s6 =	sld [smem:$0x3F9F]  }
0x2c: {  	s7 =	sld [smem:$0x3FA0]  }
0x2d: {  	s3 =	simm.s32 $0x108;
	s8 =	sld [smem:$0x3FA1]  }
0x2e: {  	s3 =	simm.s32 @!p0 $0x1082;
	s9 =	sld [smem:$0x3FA2]  }
0x2f: {  	lr =	sadd.s32 s0, s3;
	s0 =	sld [smem:$0x3F99]  }
0x30: {  	s3 =	sld [smem:$0x3F9C]  }
0x31: {  	[smem:$0x3FA5] =	sst s10  }
0x32: {  	s10 =	sld [smem:$0x3FA3];
	_ =	sdelay $0x3  }
0x33: {  	p0 =	seq.s32 s10, $0x1;
	s10 =	sld [smem:$0x3FA5];
	_ =	sdelay $0x3  }
0x34: {  	[smem:$0x3FA5] =	sst s10  }
0x35: {  	s10 =	sld [smem:$0x3FA4];
	_ =	sdelay $0x3  }
0x36: {  	p1 =	seq.s32 s10, $0x1;
	s10 =	sld [smem:$0x3FA5];
	_ =	sdelay $0x3  }
0x37: {  	[smem:$0x3FA5] =	sst s10  }
0x38: {  	s10 =	sld [smem:$0x3FA6]  }
0x39: {  	_ = 	snop;
	(pc) =	sbr.ind lr, $3  }
0x3a: {  	_ = 	snop  }
0x3b: {  	_ = 	snop  }
0x3c: {  	p2 =	seq.s32 s10, $0x1;
	s10 =	sld [smem:$0x3FA5]  }
0x3d: {  	_ =	shalt  }
0x3e: {  	_ =	shalt  }
0x3f: {  	_ =	shalt  }
0x40: {  	_ =	shalt  }
0x41: {  	_ =	shalt  }
0x42: {  	_ =	shalt  }
0x43: {  	_ =	shalt  }
0x44: {  	_ =	shalt  }
0x45: {  	_ =	shalt  }
0x46: {  	_ =	shalt  }
0x47: {  	_ =	shalt  }
0x48: {  	_ =	shalt  }
0x49: {  	_ =	shalt  }
0x4a: {  	_ =	shalt  }
0x4b: {  	_ =	shalt  }
0x4c: {  	_ =	shalt  }
0x4d: {  	_ =	shalt  }
0x4e: {  	_ =	shalt  }
0x4f: {  	_ =	shalt  }
0x50: {  	_ =	shalt  }
0x51: {  	_ =	shalt  }
0x52: {  	_ =	shalt  }
0x53: {  	_ =	shalt  }
0x54: {  	_ =	shalt  }
0x55: {  	_ =	shalt  }
0x56: {  	_ =	shalt  }
0x57: {  	_ =	shalt  }
0x58: {  	_ =	shalt  }
0x59: {  	_ =	shalt  }
0x5a: {  	_ =	shalt  }
0x5b: {  	_ =	shalt  }
0x5c: {  	_ =	shalt  }
0x5d: {  	_ =	shalt  }
0x5e: {  	_ =	shalt  }
0x5f: {  	_ =	shalt  }
0x60: {  	_ =	shalt  }
0x61: {  	_ =	shalt  }
0x62: {  	_ =	shalt  }
0x63: {  	_ =	shalt  }
0x64: {  	_ =	shalt  }
0x65: {  	_ =	shalt  }
0x66: {  	_ =	shalt  }
0x67: {  	_ =	shalt  }
0x68: {  	_ =	shalt  }
0x69: {  	_ =	shalt  }
0x6a: {  	_ =	shalt  }
0x6b: {  	_ =	shalt  }
0x6c: {  	_ =	shalt  }
0x6d: {  	_ =	shalt  }
0x6e: {  	_ =	shalt  }
0x6f: {  	_ =	shalt  }
0x70: {  	_ =	shalt  }
0x71: {  	_ =	shalt  }
0x72: {  	_ =	shalt  }
0x73: {  	_ =	shalt  }
0x74: {  	_ =	shalt  }
0x75: {  	_ =	shalt  }
0x76: {  	_ =	shalt  }
0x77: {  	_ =	shalt  }
0x78: {  	_ =	shalt  }
0x79: {  	_ =	shalt  }
0x7a: {  	_ =	shalt  }
0x7b: {  	_ =	shalt  }
0x7c: {  	_ =	shalt  }
0x7d: {  	_ =	shalt  }
0x7e: {  	_ =	shalt  }
0x7f: {  	_ =	shalt  }
0x80: {  	_ =	shalt  }
0x81: {  	_ =	shalt  }
0x82: {  	_ =	shalt  }
0x83: {  	_ =	shalt  }
0x84: {  	_ =	shalt  }
0x85: {  	_ =	shalt  }
0x86: {  	_ =	shalt  }
0x87: {  	_ =	shalt  }
.Lfunc_end0:
.L_simem_size_0:
called_computation_lowered:
.L_overlay_start_0:
0x88: {  	s2 =	sld [smem:$0x3FD9]  }
0x89: {  	s3 =	sld [smem:$0x3FFE];
	_ =	sdelay $0x1  }
0x8a: {  	s1 =	srdreg.scid  }
0x8b: {  	s0 =	sand.u32 $0x1, s1  }
0x8c: {  	s16 =	sshll.u32 s0, $0xA;
	s2 =	sadd.s32 s3, s2  }
0x8d: {  	s2 =	sadd.s32 s2, s16  }
0x8e: {  	[smem:$0x3FB1] =	sst s2  }
0x8f: {  	_ = 	snop  }
0x90: {  	(tm) =	ssettm $0x1  }
0x91: {  	s17 =	sld [smem:$0x3FFB];
	_ =	sdelay $0x3  }
0x92: {  	_ =	strace s17  }
0x93: {  	s2 =	sld [smem:$0x3FFC];
	_ =	sdelay $0x3  }
0x94: {  	_ =	strace s2  }
0x95: {  	s2 =	sld [smem:$0x3FFD];
	_ =	sdelay $0x3  }
0x96: {  	_ =	strace s2  }
0x97: {  	_ =	strace $0x8FFFFFFF  }
0x98: {  	s18 =	sld [smem:$0x3FDB];
	_ =	sdelay $0x1  }
0x99: {  	s19 =	simm.s32 $_scs_section_size  }
0x9a: {  	s4 =	simm.s32 $_size__tile_overlayer_lowered;
	s5 =	simm.s32 $_tile_overlayer_lowered  }
0x9b: {  	s22 =	simm.s32 $0x1BFF;
	s21 =	sshll.u32 s5, $0x1;
	s2 =	sadd.s32 s19, s18  }
0x9c: {  	s6 =	simm.s32 $0x0;
	s20 =	sshll.u32 s4, $0x1;
	s4 =	sadd.s32 s21, s2  }
0x9d: {  	[timem:s6], [sflag:s22] =	dma.local [hbm:s4], s20  }
0x9e: {  	_ =	swait.ge [sflag:s22], s20  }
0x9f: {  	s3 =	ssub.s32 $0x0, s20;
	[sflag:s22] =	ssyncset.done $0x0  }
0xa0: {  	[sflag:s22] =	ssyncadd.s32 s3;
	_ =	sdelay $0x1  }
0xa1: {  	s23 =	simm.s32 $0x1B8B  }
0xa2: {  	_ =	swait.ge [sflag:s23], $0x1  }
0xa3: {  	[sflag:s23] =	ssyncset.done $0x0  }
0xa4: {  	s25 =	simm.s32 $0x1B8E;
	s24 =	sld [smem:$0x3FFE];
	[sflag:s23] =	ssyncadd.s32 $0xFFFFFFFF  }
0xa5: {  	s26 =	simm.s32 $execute0_lowered;
	[smem:$0x3FD2] =	sst s25  }
0xa6: {  	s4 =	sshll.u32 s26, $0x1;
	_ =	strace $0x80000046;
	[dreg:$0x1] =	wrdreg $0xFFFFFFFF  }
0xa7: {  	s28 =	simm.s32 $_size_execute0_lowered;
	s2 =	sadd.s32 s2, s4;
	[dreg:$0x0] =	wrdreg $0x0  }
0xa8: {  	s4 =	sshll.u32 s28, $0x1;
	[dreg:$0x2] =	wrdreg s2  }
0xa9: {  	[dreg:$0x3] =	wrdreg s4  }
0xaa: {  	[dreg:$0x4] =	wrdreg $0xC0  }
0xab: {  	_ =	task [dreg:s6], $0x5FFFF  }
0xac: {  	[dreg:$0x1] =	wrdreg $0xFFFFFFFF  }
0xad: {  	[dreg:$0x0] =	wrdreg $0x60  }
0xae: {  	[dreg:$0x2] =	wrdreg s24  }
0xaf: {  	[dreg:$0x3] =	wrdreg $0x9  }
0xb0: {  	_ =	task.clear_ibuf [dreg:s6], $0x4FFFF;
	_ =	strace $0x90000046  }
0xb1: {  	s29 =	simm.s32 $0x9;
	_ =	strace $0x80000048  }
0xb2: {  	_ =	swait.ge [sflag:s29], $0x1  }
0xb3: {  	[sflag:s29] =	ssyncadd.s32 $0xFFFFFFFF  }
0xb4: {  	_ =	strace $0x90000048  }
0xb5: {  	_ =	sfence  }
0xb6: {  	s30 =	sld [smem:$0x0];
	_ =	sdelay $0x2  }
0xb7: {  	s31 =	sshll.u32 s1, $0xD;
	s1 =	sshrl.u32 s1, $0x2  }
0xb8: {  	s3 =	sand.u32 $0x4000, s31;
	s1 =	sadd.s32 s1, s30  }
0xb9: {  	s0 =	sor.u32 s3, s0;
	s1 =	sshll.u32 s1, $0x11  }
0xba: {  	s0 =	sor.u32 s1, s0  }
0xbb: {  	s0 =	sadd.s32 $0x8F2B, s0  }
0xbc: {  	[sflag:s0] =	ssyncadd.remote.s32 $0x1  }
0xbd: {  	_ =	sfence.sel $0xFFFF  }
0xbe: {  	[dreg:$0x0] =	wrdreg $0xFFFFFFFF;
	(pc) =	sbr.abs _section_cstart, $3  }
0xbf: {  	[dreg:$0x1] =	wrdreg $0xFFFFFFFF  }
0xc0: {  	_ =	task.clear_ibuf [dreg:s6], $0x2FFFF;
	_ =	strace $0x9FFFFFFF  }
0xc1: {  	(tm) =	ssettm $0x7FFFFFFF  }
tec
execute0_lowered:
.L_overlay_start_1:
0x0: {  	(tag) =	ssettag $0x1  }
0x1: {  	s4 =	rddreg [dreg:$0x0];
	s1 =	simm.s32 $0x0  }
0x2: {  	[smem:$0x7FF] =	sst s1  }
0x3: {  	s0 =	rddreg [dreg:$0x1];
	v0 =	vimm.s32 $0x0;
	_ =	strace $0x80000047  }
0x4: {  	(xrf1) =	vunique.msk.u32 $0xffff, v0;
	_ =	sdelay $0xd  }
0x5: {  	_, v0, _ =	vpop (xrf1)  }
0x6: {  	v0 =	vxor.u32 $0x80000000, v0  }
0x7: {  	(xrf0) =	vmin.scan.msk.u32 $0xffff, v0;
	_ =	sdelay $0x5  }
0x8: {  	v0, _, _ =	vpop (xrf0)  }
0x9: {  	(v2sf) =	vpush v0, $0xF;
	_ =	sdelay $0xa  }
0xa: {  	s2 =	srdreg.scid  }
0xb: {  	s3 =	sand.u32 $0x1, s2  }
0xc: {  	s2 =	stileid.u32;
	s5 =	sshll.u32 s3, $0x4  }
0xd: {  	s5 =	sor.u32 s2, s5  }
0xe: {  	s6 =	smul.u32 $0x272, s5;
	s7 =	spop (v2sf)  }
0xf: {  	s8 =	ssub.s32 $0x2, s3;
	s5 =	smul.u32 $0x4E4, s5;
	s30 =	sxor.u32 $0x7FFFFFFF, s7  }
0x10: {  	s3 =	sadd.s32 $0x6E00, s4;
	s6 =	sadd.s32 s6, s4;
	s9 =	sadd.s32 $0x1, s30  }
0x11: {  	s31 =	sshrl.u32 s8, $0x1;
	s5 =	sadd.s32 s5, s4;
	s4 =	sadd.s32 $0x1E00, s6;
	v0 =	vmov s9  }
0x12: {  	s5 =	sadd.s32 $0x7400, s5;
	s7 =	ssub.s32 s8, s31;
	s8 =	simm.s32 $0x1;
	v0 =	vadd.s32 $0x1, v0  }
0x13: {  	s6 =	smax.u32 s7, $0x1;
	s7 =	simm.s32 $0x1390;
	s9 =	simm.s32 $0x0;
	v0 =	vbroadcast v0, $0x0  }
.LBB2_1:
0x14: {  	[tilespmem:s7], [sflag:$0x1] =	stream.linear.gather [hbm4b:s3+s1], $0x2720, $0x38;
	[tilespmem:$0x3AB0] =	vst v63  }
0x15: {  	_ =	swait.ge [sflag:s8], $0x2720  }
0x16: {  	[sflag:s8] =	ssyncset.done $0x0  }
0x17: {  	[sflag:s8] =	ssyncadd.s32 $0xFFFFD8E0  }
0x18: {  	[tilespmem:s1], [sflag:$0x1] =	stream.linear.gather [hbm4b:s4+s1], $0x1390, $0x38;
	[tilespmem:$0x3AB0] =	vst v63  }
0x19: {  	_ =	swait.ge [sflag:s8], $0x1390  }
0x1a: {  	[sflag:s8] =	ssyncset.done $0x0  }
0x1b: {  	s11 =	simm.s32 $0x0;
	s10 =	simm.s32 $0x40;
	[sflag:s8] =	ssyncadd.s32 $0xFFFFEC70  }
.LBB2_2:
0x1c: {  	p0 =	sne.s32 s10, $0x4E00;
	v1 =	vld [tilespmem:s11+$0x0];
	_ =	sdelay $0x4  }
0x1d: {  	(xrf1) =	vunique.msk.u32 $0xffff, v1;
	_ =	sdelay $0xb  }
0x1e: {  	v2 =	vld.idx.msk [tilespmem:v1+s7+$0x0], $0xffff;
	_ =	sdelay $0x1  }
0x1f: {  	_, v3, vm0 =	vpop (xrf1);
	_ =	sdelay $0x1  }
.Ltmp0:
0x20: {  	(pc) =	sbr.rel @p0 .LBB2_2-.Ltmp0, $4  }
0x21: {  	_ = 	snop  }
0x22: {  	v2 =	vadd.s32 v2, v0  }
0x23: {  	v2 =	vadd.s32 v3, v2  }
0x24: {  	s11 =	sshra.s32 s10, $0x2;
	s10 =	sadd.s32 $0x40, s10;
	[tilespmem:v1+s7+$0x0] =	vst.idx.msk vm0, v2  }
0x25: {  	v1 =	vld [tilespmem:s11+$0x0];
	_ =	sdelay $0x4  }
0x26: {  	(xrf1) =	vunique.msk.u32 $0xffff, v1;
	_ =	sdelay $0xc  }
0x27: {  	v2 =	vld.idx.msk [tilespmem:v1+s7+$0x0], $0xffff  }
0x28: {  	_, v3, vm0 =	vpop (xrf1);
	_ =	sdelay $0x3  }
0x29: {  	s9 =	sadd.s32 $0x1, s9;
	v2 =	vadd.s32 v2, v0  }
0x2a: {  	p0 =	sne.s32 s9, s6;
	v2 =	vadd.s32 v3, v2  }
.Ltmp1:
0x2b: {  	[tilespmem:v1+s7+$0x0] =	vst.idx.msk vm0, v2;
	(pc) =	sbr.rel @p0 .LBB2_1-.Ltmp1, $4  }
0x2c: {  	[hbm4b:s5+s1] =	stream.linear.scatter [tilespmem:s7], [sflag:$0x1], $0x2720, $0x38;
	[tilespmem:$0x3AB0] =	vst v63  }
0x2d: {  	_ =	swait.ge [sflag:s8], $0x2720  }
0x2e: {  	[sflag:s8] =	ssyncset.done $0x0  }
0x2f: {  	[sflag:s8] =	ssyncadd.s32 $0xFFFFD8E0  }
0x30: {  	_ =	sfence.sel $0x180000  }
0x31: {  	[bflag:$0x0] =	sbarrier.arrive $0xFFFF  }
0x32: {  	p0 =	sne.s32 s2, $0x0;
	_ =	strace $0x90000047  }
0x33: {  	s0 =	sadd.s32 @!p0 $0x100000, s0;
	[bflag:$0x2] =	sbarrier.arrive $0xFFFF  }
0x34: {  	[sflag:s0] =	ssyncadd.tile.s32 @!p0 $0x1;
	_ =	shalt  }
.Lfunc_end2:
_tile_overlayer_lowered:
.L_overlay_start_2:
0x35: {  	(tag) =	ssettag $0x2  }
0x36: {  	s0 =	rddreg [dreg:$0x0];
	s2 =	stileid.u32  }
0x37: {  	s1 =	rddreg [dreg:$0x1];
	p0 =	sne.s32 s2, $0x0  }
0x38: {  	s3 =	rddreg [dreg:$0x2];
	[bflag:$0x3] =	sbarrier.arrive $0xFFFF;
	s2 =	simm.s32 @!p0 $0x1C01  }
0x39: {  	[timem:s3], [sflag:s2] =	dma.local @!p0 [hbm:s0], s1  }
0x3a: {  	s0 =	simm.s32 @!p0 $0x1  }
0x3b: {  	_ =	swait.ge @!p0 [sflag:s0], s1  }
0x3c: {  	s1 =	ssub.s32 @!p0 $0x0, s1;
	[sflag:s0] =	ssyncset.done @!p0 $0x0  }
0x3d: {  	[sflag:s0] =	ssyncadd.s32 @!p0 s1  }
0x3e: {  	[bflag:$0x3] =	sbarrier.arrive $0xFFFF  }
0x3f: {  	_ =	shalt  }

</sc_bundles>
